<compile_context>
chip_gen: v7x
topology: tpu7x:2x2x1
jax: 0.10.2.dev20260603
libtpu: 0.0.44.dev20260713+nightly
codegen_flags: <defaults>
</compile_context>

<pallas_src>
import jax
import jax.numpy as jnp
from jax import lax
from jax.experimental import pallas as pl
from jax.experimental.pallas import tpu as pltpu
from jax.experimental.pallas import tpu_sc as plsc

NUM_SPHERICAL = 7
NUM_RADIAL = 16
EMB = 64
KMAX = 8
E_BLK = 6400

N_EDGES = 320000
N_TRIP = 1280000
PAD_ROWS = 1024
HALF = N_EDGES * KMAX // 2
DIVERT = HALF
CNT_BASE = HALF + 256
WSIZE = HALF + 512

T_PER_TILE = N_TRIP // 16
A_CHUNK = 4000
A_CHUNKS = T_PER_TILE // A_CHUNK

E_PER_TILE = N_EDGES // 32
B_EDGES = 250
B_CHUNKS = E_PER_TILE // B_EDGES
B_SLOTS = B_EDGES * KMAX


_NT = (((1,), (1,)), ((), ()))


def _mm_body(x_ref, w_ref, o1_ref):
    o1_ref[...] = lax.dot_general(w_ref[...], x_ref[...], _NT,
                                  preferred_element_type=jnp.float32)


def _perm_body(u_ref, p_ref, o2_ref):
    o2_ref[...] = lax.dot_general(p_ref[...], u_ref[...], _NT,
                                  preferred_element_type=jnp.float32,
                                  precision=jax.lax.Precision.HIGHEST)


def _tc_mm(rbf2d, w2t):
    n_edges = rbf2d.shape[0]
    out1 = pl.pallas_call(
        _mm_body,
        grid=(n_edges // E_BLK,),
        in_specs=[
            pl.BlockSpec((E_BLK, NUM_RADIAL), lambda i: (i, 0)),
            pl.BlockSpec((NUM_SPHERICAL * EMB, NUM_RADIAL), lambda i: (0, 0)),
        ],
        out_specs=pl.BlockSpec((NUM_SPHERICAL * EMB, E_BLK),
                               lambda i: (0, i)),
        out_shape=jax.ShapeDtypeStruct((NUM_SPHERICAL * EMB, n_edges),
                                       jnp.float32),
    )(rbf2d, w2t)
    return out1.reshape(NUM_SPHERICAL, EMB, n_edges).transpose(2, 1, 0)


def _tc_perm(u2d, perm):
    n_edges = u2d.shape[0]
    out2 = pl.pallas_call(
        _perm_body,
        grid=(n_edges // E_BLK,),
        in_specs=[
            pl.BlockSpec((E_BLK, KMAX * KMAX), lambda i: (i, 0)),
            pl.BlockSpec((NUM_SPHERICAL * KMAX, KMAX * KMAX),
                         lambda i: (0, 0)),
        ],
        out_specs=pl.BlockSpec((NUM_SPHERICAL * KMAX, E_BLK),
                               lambda i: (0, i)),
        out_shape=jax.ShapeDtypeStruct((NUM_SPHERICAL * KMAX, n_edges),
                                       jnp.float32),
    )(u2d, perm)
    return out2.reshape(NUM_SPHERICAL, KMAX, n_edges).transpose(2, 0, 1)


def _vsum16(v, iota):
    for sh in (8, 4, 2, 1):
        perm = (iota + sh) & 15
        v = v + lax.gather(
            v, perm.reshape(16, 1),
            lax.GatherDimensionNumbers(offset_dims=(),
                                       collapsed_slice_dims=(0,),
                                       start_index_map=(0,)),
            (1,), mode=lax.GatherScatterMode.PROMISE_IN_BOUNDS)
    return v[0]


def _sc_body(ca_hbm, rg_hbm, sph_hbm, out_hbm,
             ca_buf, rg_buf, idx_buf, val_buf, w_buf,
             gidx_buf, wb_buf, rows_buf, cnt_all, winner):
    c = lax.axis_index("c")
    s = lax.axis_index("s")
    iota = lax.iota(jnp.int32, 16)
    half_base = c * HALF

    def fill_neg1(i, _):
        val_buf[pl.ds(i * 16, 16)] = jnp.full((16,), -1, jnp.int32)
        return 0
    lax.fori_loop(0, A_CHUNK // 16, fill_neg1, 0)

    def init_w(j, _):
        pltpu.sync_copy(val_buf,
                        winner.at[pl.ds(s * (HALF // 16) + j * A_CHUNK,
                                        A_CHUNK)])
        return 0
    lax.fori_loop(0, HALF // 16 // A_CHUNK, init_w, 0)

    @pl.when(s == 0)
    def _():
        pltpu.sync_copy(val_buf.at[pl.ds(0, 512)],
                        winner.at[pl.ds(HALF, 512)])
    plsc.subcore_barrier()

    def run_round(total):
        del total

        def chunk_body(ch, cnt_vec):
            t0 = s * T_PER_TILE + ch * A_CHUNK
            pltpu.sync_copy(ca_hbm.at[pl.ds(t0, A_CHUNK)], ca_buf)
            pltpu.sync_copy(rg_hbm.at[pl.ds(t0, A_CHUNK)], rg_buf)

            def pass1(i, _):
                sl = pl.ds(i * 16, 16)
                key = (ca_buf[sl] << 3) + rg_buf[sl]
                rel = key - half_base
                own = (rel >= 0) & (rel < HALF)
                idx_buf[sl] = jnp.where(own, rel, DIVERT + iota)
                return 0
            lax.fori_loop(0, A_CHUNK // 16, pass1, 0)

            pltpu.sync_copy(winner.at[idx_buf], w_buf)

            def pass2(i, cv):
                sl = pl.ds(i * 16, 16)
                idxv = idx_buf[sl]
                t = t0 + i * 16 + iota
                pend = (idxv < HALF) & (w_buf[sl] < t)
                idx_buf[sl] = jnp.where(pend, idxv, DIVERT + iota)
                val_buf[sl] = t
                return cv + jnp.where(pend, 1, 0)
            cnt_vec = lax.fori_loop(0, A_CHUNK // 16, pass2, cnt_vec)

            pltpu.sync_copy(val_buf, winner.at[idx_buf])
            return cnt_vec

        cnt_vec = lax.fori_loop(0, A_CHUNKS, chunk_body,
                                jnp.zeros((16,), jnp.int32))

        val_buf[pl.ds(0, 16)] = cnt_vec
        pltpu.sync_copy(val_buf.at[pl.ds(0, 16)],
                        winner.at[pl.ds(CNT_BASE + s * 16, 16)])
        plsc.subcore_barrier()
        pltpu.sync_copy(winner.at[pl.ds(CNT_BASE, 256)], cnt_all)

        def sum16(i, acc):
            return acc + cnt_all[pl.ds(i * 16, 16)]
        tot_vec = lax.fori_loop(0, 16, sum16, jnp.zeros((16,), jnp.int32))
        plsc.subcore_barrier()
        return _vsum16(tot_vec, iota)

    def round_body(r, total):
        del r
        return lax.cond(total > 0, run_round, lambda t: t, total)

    lax.fori_loop(0, 12, round_body, jnp.int32(1))

    def b_chunk(ch, _):
        slot0 = s * E_PER_TILE * KMAX + ch * B_SLOTS
        pltpu.sync_copy(winner.at[pl.ds(slot0, B_SLOTS)], wb_buf)

        def gpass(i, _):
            sl = pl.ds(i * 16, 16)
            w = wb_buf[sl]
            slotid = slot0 + i * 16 + iota
            gidx_buf[sl] = jnp.where(w < 0,
                                     N_TRIP + (slotid & (PAD_ROWS - 1)), w)
            return 0
        lax.fori_loop(0, B_SLOTS // 16, gpass, 0)

        pltpu.sync_copy(sph_hbm.at[gidx_buf], rows_buf)

        row0 = (c * 16 + s) * E_PER_TILE * KMAX + ch * B_SLOTS
        pltpu.sync_copy(rows_buf, out_hbm.at[pl.ds(row0, B_SLOTS)])
        return 0
    lax.fori_loop(0, B_CHUNKS, b_chunk, 0)


def _sph2_u(id_ca, id_rg, sph_pad):
    mesh = plsc.VectorSubcoreMesh(core_axis_name="c", subcore_axis_name="s")
    run = pl.kernel(
        _sc_body,
        out_type=jax.ShapeDtypeStruct((N_EDGES * KMAX, KMAX), jnp.float32),
        mesh=mesh,
        compiler_params=pltpu.CompilerParams(use_tc_tiling_on_sc=False),
        scratch_types=[
            pltpu.VMEM((A_CHUNK,), jnp.int32),
            pltpu.VMEM((A_CHUNK,), jnp.int32),
            pltpu.VMEM((A_CHUNK,), jnp.int32),
            pltpu.VMEM((A_CHUNK,), jnp.int32),
            pltpu.VMEM((A_CHUNK,), jnp.int32),
            pltpu.VMEM((B_SLOTS,), jnp.int32),
            pltpu.VMEM((B_SLOTS,), jnp.int32),
            pltpu.VMEM((B_SLOTS, KMAX), jnp.float32),
            pltpu.VMEM((256,), jnp.int32),
            pltpu.VMEM_SHARED((WSIZE,), jnp.int32),
        ],
    )
    return run(id_ca, id_rg, sph_pad)


def kernel(rbf, sph, id_ca, id_ragged_idx, weight):
    n_edges = rbf.shape[1]
    w2t = jnp.transpose(weight, (0, 2, 1)).reshape(NUM_SPHERICAL * EMB,
                                                   NUM_RADIAL)

    sph_pad = jnp.pad(sph.astype(jnp.float32), ((0, PAD_ROWS), (0, 1)))
    u = _sph2_u(id_ca.astype(jnp.int32), id_ragged_idx.astype(jnp.int32),
                sph_pad)
    u2d = u.reshape(n_edges, KMAX * KMAX)

    q = jnp.arange(NUM_SPHERICAL * KMAX)
    src = (q % KMAX) * KMAX + q // KMAX
    perm = jax.nn.one_hot(src, KMAX * KMAX, axis=1, dtype=jnp.float32)

    rbf_w1 = _tc_mm(rbf.reshape(n_edges, NUM_RADIAL).astype(jnp.float32),
                    w2t)
    sph2 = _tc_perm(u2d, perm)
    return (rbf_w1, sph2.astype(sph.dtype))

# --- scband reference (transcript-rebuilt; emitter-appended) ---
"""Pipeline reference for scband-efficient-interaction-down-projection-86234353369147 (READ-ONLY COPY).

The authoritative reference and input builder live on the scoring server;
editing this copy changes nothing except your own understanding.
"""

import jax, jax.numpy as jnp
import numpy as np

NUM_SPHERICAL = 7
NUM_RADIAL = 16
EMB_SIZE_INTERM = 64
N_EDGES = 320000
N_TRIPLETS = 1280000
KMAX_FILL = 8


def _init_weight(key):
    w = jax.random.normal(key, (NUM_SPHERICAL, NUM_RADIAL, EMB_SIZE_INTERM), dtype=jnp.float32)
    mean = jnp.mean(w, axis=(0, 1), keepdims=True)
    var = jnp.var(w, axis=(0, 1), ddof=1, keepdims=True)
    w = (w - mean) / (var + 1e-06) ** 0.5
    fan_in = NUM_SPHERICAL * NUM_RADIAL
    return w * (1.0 / fan_in) ** 0.5


def setup_inputs(seed: int = 0) -> dict:
    key = jax.random.key(seed)
    k1, k2, k3, k4, k5 = jax.random.split(key, 5)
    rbf = jax.random.normal(k1, (1, N_EDGES, NUM_RADIAL), dtype=jnp.float32)
    sph = jax.random.normal(k2, (N_TRIPLETS, NUM_SPHERICAL), dtype=jnp.float32)
    id_ca = jax.random.randint(k3, (N_TRIPLETS,), 0, N_EDGES, dtype=jnp.int64 if jax.config.jax_enable_x64 else jnp.int32)
    id_ragged_idx = jax.random.randint(k4, (N_TRIPLETS,), 0, KMAX_FILL, dtype=jnp.int64 if jax.config.jax_enable_x64 else jnp.int32)
    weight = _init_weight(k5)
    return {"rbf": rbf, "sph": sph, "id_ca": id_ca, "id_ragged_idx": id_ragged_idx, "weight": weight}


def reference(rbf, sph, id_ca, id_ragged_idx, weight):
    num_edges = rbf.shape[1]
    num_spherical = weight.shape[0]
    # rbf: (1, nEdges, num_radial) @ weight: (num_spherical, num_radial, emb_size_interm)
    # broadcasts to (num_spherical, nEdges, emb_size_interm)
    rbf_W1 = jnp.matmul(rbf.astype(jnp.float32), weight)
    rbf_W1 = jnp.transpose(rbf_W1, (1, 2, 0))  # (nEdges, emb_size_interm, num_spherical)
    if sph.shape[0] == 0:
        Kmax = 0
    else:
        Kmax = KMAX_FILL
    sph2 = jnp.zeros((num_edges, Kmax, num_spherical), dtype=sph.dtype)
    sph2 = sph2.at[id_ca, id_ragged_idx].set(sph)
    sph2 = jnp.transpose(sph2, (0, 2, 1))  # (nEdges, num_spherical, Kmax)
    return (rbf_W1, sph2)

if __name__ == "__main__":
    import jax
    _d = setup_inputs()
    print(jax.jit(kernel)(*tuple(_d.values())))

</pallas_src>

<mosaic_0001>
#map = affine_map<(d0, d1) -> (0)>
#map1 = affine_map<(d0, d1) -> (0, 0)>
module attributes {stable_mosaic.version = 14 : i64} {
  func.func @_sc_body(%arg0: i32, %arg1: i32, %arg2: memref<1280000xi32, #tpu.memory_space<hbm>>, %arg3: memref<1280000xi32, #tpu.memory_space<hbm>>, %arg4: memref<1281024x8xf32, #tpu.memory_space<hbm>>, %arg5: memref<2560000x8xf32, #tpu.memory_space<hbm>>, %arg6: memref<4000xi32, #tpu.memory_space<vmem>>, %arg7: memref<4000xi32, #tpu.memory_space<vmem>>, %arg8: memref<4000xi32, #tpu.memory_space<vmem>>, %arg9: memref<4000xi32, #tpu.memory_space<vmem>>, %arg10: memref<4000xi32, #tpu.memory_space<vmem>>, %arg11: memref<2000xi32, #tpu.memory_space<vmem>>, %arg12: memref<2000xi32, #tpu.memory_space<vmem>>, %arg13: memref<2000x8xf32, #tpu.memory_space<vmem>>, %arg14: memref<256xi32, #tpu.memory_space<vmem>>, %arg15: memref<1280512xi32, #tpu.memory_space<vmem_shared>>) attributes {dimension_semantics = [#tpu.dimension_semantics<core_parallel>, #tpu.dimension_semantics<subcore_parallel>], iteration_bounds = array<i64: 2, 16>, scalar_prefetch = 0 : i64, scratch_operands = 10 : i64, tpu.core_type = #tpu.core_type<sc_vector_subcore>, window_params = [{transform_indices = #map}, {transform_indices = #map}, {transform_indices = #map1}, {transform_indices = #map1}]} {
    %iota3A = tpu.iota {dimensions = array<i32: 0>} : vector<16xi32>
    %mul3A = arith.constant 1280000 : i32
    %mul3A_0 = arith.muli %arg0, %mul3A : i32
    %scan3A = arith.constant 0 : i32
    %scan3A_1 = arith.constant 0 : i32
    %scan3A_2 = arith.constant 250 : i32
    %scan3A_3 = arith.addi %scan3A_1, %scan3A_2 : i32
    %scan3A_4 = arith.constant 1 : i32
    %scan3A_5 = scf.for %scan3A_30 = %scan3A_1 to %scan3A_3 step %scan3A_4 iter_args(%scan3A_31 = %scan3A) -> (i32)  : i32 {
      %broadcast_in_dim3A = arith.constant -1 : i32
      %broadcast_in_dim3A_32 = vector.broadcast %broadcast_in_dim3A : i32 to vector<16xi32>
      %mul3A_33 = arith.constant 16 : i32
      %mul3A_34 = arith.muli %scan3A_30, %mul3A_33 : i32
      %swap3A = arith.index_cast %mul3A_34 : i32 to index
      %swap3A_35 = tpu.vector_load %arg9[%swap3A] {strides = array<i32>} : memref<4000xi32, #tpu.memory_space<vmem>>, vector<16xi32>,
      %swap3A_36 = vector.shape_cast %swap3A_35 : vector<16xi32> to vector<16xi32>
      %swap3A_37 = vector.shape_cast %broadcast_in_dim3A_32 : vector<16xi32> to vector<16xi32>
      tpu.vector_store %arg9[%swap3A], %swap3A_37 {strides = array<i32>} : memref<4000xi32, #tpu.memory_space<vmem>>, vector<16xi32>,
      %scan3A_38 = arith.constant 0 : i32
      scf.yield %scan3A_38 : i32
    }
    %scan3A_6 = arith.constant 250 : i32
    %scan3A_7 = arith.constant 0 : i32
    %scan3A_8 = arith.constant 0 : i32
    %scan3A_9 = arith.constant 20 : i32
    %scan3A_10 = arith.addi %scan3A_8, %scan3A_9 : i32
    %scan3A_11 = arith.constant 1 : i32
    %scan3A_12 = scf.for %scan3A_30 = %scan3A_8 to %scan3A_10 step %scan3A_11 iter_args(%scan3A_31 = %scan3A_7) -> (i32)  : i32 {
      %mul3A_32 = arith.constant 80000 : i32
      %mul3A_33 = arith.muli %arg1, %mul3A_32 : i32
      %mul3A_34 = arith.constant 4000 : i32
      %mul3A_35 = arith.muli %scan3A_30, %mul3A_34 : i32
      %add3A = arith.addi %mul3A_33, %mul3A_35 : i32
      "tpu.region"() ({
        %run_scoped3A = tpu.sem_alloc : memref<!tpu.dma_semaphore, #tpu.memory_space<semaphore_mem>>
        %dma_start3A = tpu.memref_slice %arg15[%add3A] : memref<1280512xi32, #tpu.memory_space<vmem_shared>> -> memref<4000xi32, #tpu.memory_space<vmem_shared>>
        %dma_start3A_37 = tpu.memref_slice %arg15[%add3A] : memref<1280512xi32, #tpu.memory_space<vmem_shared>> -> memref<4000xi32, #tpu.memory_space<vmem_shared>>
        tpu.enqueue_dma source(%arg9 : memref<4000xi32, #tpu.memory_space<vmem>>) target(%dma_start3A_37 : memref<4000xi32, #tpu.memory_space<vmem_shared>>) target_semaphore(%run_scoped3A : memref<!tpu.dma_semaphore, #tpu.memory_space<semaphore_mem>>)
        %dma_wait3A = tpu.memref_slice %arg15[%add3A] : memref<1280512xi32, #tpu.memory_space<vmem_shared>> -> memref<4000xi32, #tpu.memory_space<vmem_shared>>
        %dma_wait3A_38 = tpu.memref_slice %arg15[%add3A] : memref<1280512xi32, #tpu.memory_space<vmem_shared>> -> memref<4000xi32, #tpu.memory_space<vmem_shared>>
        tpu.wait_dma2 semaphore(%run_scoped3A : memref<!tpu.dma_semaphore, #tpu.memory_space<semaphore_mem>>) src(%arg9 : memref<4000xi32, #tpu.memory_space<vmem>>) dst(%dma_wait3A_38 : memref<4000xi32, #tpu.memory_space<vmem_shared>>)
        tpu.yield
      }) : () -> ()
      %scan3A_36 = arith.constant 0 : i32
      scf.yield %scan3A_36 : i32
    }
    %scan3A_13 = arith.constant 20 : i32
    %eq3A = arith.constant 0 : i32
    %eq3A_14 = arith.cmpi eq, %arg1, %eq3A : i32
    %convert_element_type3A = arith.extui %eq3A_14 : i1 to i32
    %cond3A = arith.constant 0 : i32
    %cond3A_15 = arith.cmpi ne, %convert_element_type3A, %cond3A : i32
    scf.if %cond3A_15 {
      "tpu.region"() ({
        %run_scoped3A = tpu.sem_alloc : memref<!tpu.dma_semaphore, #tpu.memory_space<semaphore_mem>>
        %dma_start3A = arith.constant 0 : i32
        %dma_start3A_30 = tpu.memref_slice %arg9[%dma_start3A] : memref<4000xi32, #tpu.memory_space<vmem>> -> memref<512xi32, #tpu.memory_space<vmem>>
        %dma_start3A_31 = arith.constant 1280000 : i32
        %dma_start3A_32 = tpu.memref_slice %arg15[%dma_start3A_31] : memref<1280512xi32, #tpu.memory_space<vmem_shared>> -> memref<512xi32, #tpu.memory_space<vmem_shared>>
        %dma_start3A_33 = arith.constant 1280000 : i32
        %dma_start3A_34 = tpu.memref_slice %arg15[%dma_start3A_33] : memref<1280512xi32, #tpu.memory_space<vmem_shared>> -> memref<512xi32, #tpu.memory_space<vmem_shared>>
        %dma_start3A_35 = arith.constant 0 : i32
        %dma_start3A_36 = tpu.memref_slice %arg9[%dma_start3A_35] : memref<4000xi32, #tpu.memory_space<vmem>> -> memref<512xi32, #tpu.memory_space<vmem>>
        tpu.enqueue_dma source(%dma_start3A_36 : memref<512xi32, #tpu.memory_space<vmem>>) target(%dma_start3A_34 : memref<512xi32, #tpu.memory_space<vmem_shared>>) target_semaphore(%run_scoped3A : memref<!tpu.dma_semaphore, #tpu.memory_space<semaphore_mem>>)
        %dma_wait3A = arith.constant 0 : i32
        %dma_wait3A_37 = tpu.memref_slice %arg9[%dma_wait3A] : memref<4000xi32, #tpu.memory_space<vmem>> -> memref<512xi32, #tpu.memory_space<vmem>>
        %dma_wait3A_38 = arith.constant 1280000 : i32
        %dma_wait3A_39 = tpu.memref_slice %arg15[%dma_wait3A_38] : memref<1280512xi32, #tpu.memory_space<vmem_shared>> -> memref<512xi32, #tpu.memory_space<vmem_shared>>
        %dma_wait3A_40 = arith.constant 1280000 : i32
        %dma_wait3A_41 = tpu.memref_slice %arg15[%dma_wait3A_40] : memref<1280512xi32, #tpu.memory_space<vmem_shared>> -> memref<512xi32, #tpu.memory_space<vmem_shared>>
        %dma_wait3A_42 = arith.constant 0 : i32
        %dma_wait3A_43 = tpu.memref_slice %arg9[%dma_wait3A_42] : memref<4000xi32, #tpu.memory_space<vmem>> -> memref<512xi32, #tpu.memory_space<vmem>>
        tpu.wait_dma2 semaphore(%run_scoped3A : memref<!tpu.dma_semaphore, #tpu.memory_space<semaphore_mem>>) src(%dma_wait3A_43 : memref<512xi32, #tpu.memory_space<vmem>>) dst(%dma_wait3A_41 : memref<512xi32, #tpu.memory_space<vmem_shared>>)
        tpu.yield
      }) : () -> ()
    } else {
    }
    %barrier3A = arith.constant 0 : index
    tpu.barrier barrier_id(%barrier3A)
    %scan3A_16 = arith.constant 1 : i32
    %scan3A_17 = arith.constant 0 : i32
    %scan3A_18 = arith.constant 12 : i32
    %scan3A_19 = arith.addi %scan3A_17, %scan3A_18 : i32
    %scan3A_20 = arith.constant 1 : i32
    %scan3A_21 = scf.for %scan3A_30 = %scan3A_17 to %scan3A_19 step %scan3A_20 iter_args(%scan3A_31 = %scan3A_16) -> (i32)  : i32 {
      %gt3A = arith.constant 0 : i32
      %gt3A_32 = arith.cmpi sgt, %scan3A_31, %gt3A : i32
      %convert_element_type3A_33 = arith.extui %gt3A_32 : i1 to i32
      %cond3A_34 = arith.constant 0 : i32
      %cond3A_35 = arith.cmpi ne, %convert_element_type3A_33, %cond3A_34 : i32
      %cond3A_36 = scf.if %cond3A_35 -> (i32) {
        %broadcast_in_dim3A = arith.constant 0 : i32
        %broadcast_in_dim3A_37 = vector.broadcast %broadcast_in_dim3A : i32 to vector<16xi32>
        %scan3A_38 = arith.constant 0 : i32
        %scan3A_39 = arith.constant 20 : i32
        %scan3A_40 = arith.addi %scan3A_38, %scan3A_39 : i32
        %scan3A_41 = arith.constant 1 : i32
        %scan3A_42 = scf.for %scan3A_97 = %scan3A_38 to %scan3A_40 step %scan3A_41 iter_args(%scan3A_98 = %broadcast_in_dim3A_37) -> (vector<16xi32>)  : i32 {
          %mul3A_99 = arith.constant 80000 : i32
          %mul3A_100 = arith.muli %arg1, %mul3A_99 : i32
          %mul3A_101 = arith.constant 4000 : i32
          %mul3A_102 = arith.muli %scan3A_97, %mul3A_101 : i32
          %add3A_103 = arith.addi %mul3A_100, %mul3A_102 : i32
          "tpu.region"() ({
            %run_scoped3A = tpu.sem_alloc : memref<!tpu.dma_semaphore, #tpu.memory_space<semaphore_mem>>
            %dma_start3A = tpu.memref_slice %arg2[%add3A_103] : memref<1280000xi32, #tpu.memory_space<hbm>> -> memref<4000xi32, #tpu.memory_space<hbm>>
            %dma_start3A_117 = tpu.memref_slice %arg2[%add3A_103] : memref<1280000xi32, #tpu.memory_space<hbm>> -> memref<4000xi32, #tpu.memory_space<hbm>>
            tpu.enqueue_dma source(%dma_start3A_117 : memref<4000xi32, #tpu.memory_space<hbm>>) target(%arg6 : memref<4000xi32, #tpu.memory_space<vmem>>) target_semaphore(%run_scoped3A : memref<!tpu.dma_semaphore, #tpu.memory_space<semaphore_mem>>)
            %dma_wait3A = tpu.memref_slice %arg2[%add3A_103] : memref<1280000xi32, #tpu.memory_space<hbm>> -> memref<4000xi32, #tpu.memory_space<hbm>>
            %dma_wait3A_118 = tpu.memref_slice %arg2[%add3A_103] : memref<1280000xi32, #tpu.memory_space<hbm>> -> memref<4000xi32, #tpu.memory_space<hbm>>
            tpu.wait_dma2 semaphore(%run_scoped3A : memref<!tpu.dma_semaphore, #tpu.memory_space<semaphore_mem>>) src(%dma_wait3A_118 : memref<4000xi32, #tpu.memory_space<hbm>>) dst(%arg6 : memref<4000xi32, #tpu.memory_space<vmem>>)
            tpu.yield
          }) : () -> ()
          "tpu.region"() ({
            %run_scoped3A = tpu.sem_alloc : memref<!tpu.dma_semaphore, #tpu.memory_space<semaphore_mem>>
            %dma_start3A = tpu.memref_slice %arg3[%add3A_103] : memref<1280000xi32, #tpu.memory_space<hbm>> -> memref<4000xi32, #tpu.memory_space<hbm>>
            %dma_start3A_117 = tpu.memref_slice %arg3[%add3A_103] : memref<1280000xi32, #tpu.memory_space<hbm>> -> memref<4000xi32, #tpu.memory_space<hbm>>
            tpu.enqueue_dma source(%dma_start3A_117 : memref<4000xi32, #tpu.memory_space<hbm>>) target(%arg7 : memref<4000xi32, #tpu.memory_space<vmem>>) target_semaphore(%run_scoped3A : memref<!tpu.dma_semaphore, #tpu.memory_space<semaphore_mem>>)
            %dma_wait3A = tpu.memref_slice %arg3[%add3A_103] : memref<1280000xi32, #tpu.memory_space<hbm>> -> memref<4000xi32, #tpu.memory_space<hbm>>
            %dma_wait3A_118 = tpu.memref_slice %arg3[%add3A_103] : memref<1280000xi32, #tpu.memory_space<hbm>> -> memref<4000xi32, #tpu.memory_space<hbm>>
            tpu.wait_dma2 semaphore(%run_scoped3A : memref<!tpu.dma_semaphore, #tpu.memory_space<semaphore_mem>>) src(%dma_wait3A_118 : memref<4000xi32, #tpu.memory_space<hbm>>) dst(%arg7 : memref<4000xi32, #tpu.memory_space<vmem>>)
            tpu.yield
          }) : () -> ()
          %scan3A_104 = arith.constant 0 : i32
          %scan3A_105 = arith.constant 0 : i32
          %scan3A_106 = arith.constant 250 : i32
          %scan3A_107 = arith.addi %scan3A_105, %scan3A_106 : i32
          %scan3A_108 = arith.constant 1 : i32
          %scan3A_109 = scf.for %scan3A_117 = %scan3A_105 to %scan3A_107 step %scan3A_108 iter_args(%scan3A_118 = %scan3A_104) -> (i32)  : i32 {
            %mul3A_119 = arith.constant 16 : i32
            %mul3A_120 = arith.muli %scan3A_117, %mul3A_119 : i32
            %get3A = arith.index_cast %mul3A_120 : i32 to index
            %get3A_121 = tpu.vector_load %arg6[%get3A] {strides = array<i32>} : memref<4000xi32, #tpu.memory_space<vmem>>, vector<16xi32>,
            %get3A_122 = vector.shape_cast %get3A_121 : vector<16xi32> to vector<16xi32>
            %shift_left3A = arith.constant 3 : i32
            %shift_left3A_123 = vector.broadcast %shift_left3A : i32 to vector<16xi32>
            %shift_left3A_124 = arith.shli %get3A_122, %shift_left3A_123 : vector<16xi32>
            %get3A_125 = arith.index_cast %mul3A_120 : i32 to index
            %get3A_126 = tpu.vector_load %arg7[%get3A_125] {strides = array<i32>} : memref<4000xi32, #tpu.memory_space<vmem>>, vector<16xi32>,
            %get3A_127 = vector.shape_cast %get3A_126 : vector<16xi32> to vector<16xi32>
            %add3A_128 = arith.addi %shift_left3A_124, %get3A_127 : vector<16xi32>
            %sub3A = vector.broadcast %mul3A_0 : i32 to vector<16xi32>
            %sub3A_129 = arith.subi %add3A_128, %sub3A : vector<16xi32>
            %ge3A = arith.constant 0 : i32
            %ge3A_130 = vector.broadcast %ge3A : i32 to vector<16xi32>
            %ge3A_131 = arith.cmpi sge, %sub3A_129, %ge3A_130 : vector<16xi32>
            %lt3A = arith.constant 1280000 : i32
            %lt3A_132 = vector.broadcast %lt3A : i32 to vector<16xi32>
            %lt3A_133 = arith.cmpi slt, %sub3A_129, %lt3A_132 : vector<16xi32>
            %and3A_134 = arith.andi %ge3A_131, %lt3A_133 : vector<16xi1>
            %add3A_135 = arith.constant 1280000 : i32
            %add3A_136 = vector.broadcast %add3A_135 : i32 to vector<16xi32>
            %add3A_137 = arith.addi %add3A_136, %iota3A : vector<16xi32>
            %select_n3A = arith.select %and3A_134, %sub3A_129, %add3A_137 : vector<16xi1>, vector<16xi32>
            %swap3A_138 = arith.index_cast %mul3A_120 : i32 to index
            %swap3A_139 = tpu.vector_load %arg8[%swap3A_138] {strides = array<i32>} : memref<4000xi32, #tpu.memory_space<vmem>>, vector<16xi32>,
            %swap3A_140 = vector.shape_cast %swap3A_139 : vector<16xi32> to vector<16xi32>
            %swap3A_141 = vector.shape_cast %select_n3A : vector<16xi32> to vector<16xi32>
            tpu.vector_store %arg8[%swap3A_138], %swap3A_141 {strides = array<i32>} : memref<4000xi32, #tpu.memory_space<vmem>>, vector<16xi32>,
            %scan3A_142 = arith.constant 0 : i32
            scf.yield %scan3A_142 : i32
          }
          %scan3A_110 = arith.constant 250 : i32
          "tpu.region"() ({
            %run_scoped3A = tpu.sem_alloc : memref<!tpu.dma_semaphore, #tpu.memory_space<semaphore_mem>>
            %dma_start3A = arith.constant 0 : i32
            %dma_start3A_117 = tpu.memref_slice %arg15[%dma_start3A] : memref<1280512xi32, #tpu.memory_space<vmem_shared>> -> memref<1280512xi32, #tpu.memory_space<vmem_shared>>
            tpu.enqueue_indirect_dma source(%dma_start3A_117 : memref<1280512xi32, #tpu.memory_space<vmem_shared>>) target(%arg10 : memref<4000xi32, #tpu.memory_space<vmem>>) offsets(%arg8 : memref<4000xi32, #tpu.memory_space<vmem>>) semaphore(%run_scoped3A : memref<!tpu.dma_semaphore, #tpu.memory_space<semaphore_mem>>)
            %dma_wait3A = arith.constant 0 : i32
            %dma_wait3A_118 = tpu.memref_slice %arg15[%dma_wait3A] : memref<1280512xi32, #tpu.memory_space<vmem_shared>> -> memref<1280512xi32, #tpu.memory_space<vmem_shared>>
            tpu.wait_indirect_dma semaphore(%run_scoped3A : memref<!tpu.dma_semaphore, #tpu.memory_space<semaphore_mem>>) src(%dma_wait3A_118 : memref<1280512xi32, #tpu.memory_space<vmem_shared>>) dst(%arg10 : memref<4000xi32, #tpu.memory_space<vmem>>)
            tpu.yield
          }) : () -> ()
          %scan3A_111 = arith.constant 0 : i32
          %scan3A_112 = arith.constant 250 : i32
          %scan3A_113 = arith.addi %scan3A_111, %scan3A_112 : i32
          %scan3A_114 = arith.constant 1 : i32
          %scan3A_115 = scf.for %scan3A_117 = %scan3A_111 to %scan3A_113 step %scan3A_114 iter_args(%scan3A_118 = %scan3A_98) -> (vector<16xi32>)  : i32 {
            %mul3A_119 = arith.constant 16 : i32
            %mul3A_120 = arith.muli %scan3A_117, %mul3A_119 : i32
            %get3A = arith.index_cast %mul3A_120 : i32 to index
            %get3A_121 = tpu.vector_load %arg8[%get3A] {strides = array<i32>} : memref<4000xi32, #tpu.memory_space<vmem>>, vector<16xi32>,
            %get3A_122 = vector.shape_cast %get3A_121 : vector<16xi32> to vector<16xi32>
            %mul3A_123 = arith.constant 16 : i32
            %mul3A_124 = arith.muli %scan3A_117, %mul3A_123 : i32
            %add3A_125 = arith.addi %add3A_103, %mul3A_124 : i32
            %add3A_126 = vector.broadcast %add3A_125 : i32 to vector<16xi32>
            %add3A_127 = arith.addi %add3A_126, %iota3A : vector<16xi32>
            %lt3A = arith.constant 1280000 : i32
            %lt3A_128 = vector.broadcast %lt3A : i32 to vector<16xi32>
            %lt3A_129 = arith.cmpi slt, %get3A_122, %lt3A_128 : vector<16xi32>
            %get3A_130 = arith.index_cast %mul3A_120 : i32 to index
            %get3A_131 = tpu.vector_load %arg10[%get3A_130] {strides = array<i32>} : memref<4000xi32, #tpu.memory_space<vmem>>, vector<16xi32>,
            %get3A_132 = vector.shape_cast %get3A_131 : vector<16xi32> to vector<16xi32>
            %lt3A_133 = arith.cmpi slt, %get3A_132, %add3A_127 : vector<16xi32>
            %and3A_134 = arith.andi %lt3A_129, %lt3A_133 : vector<16xi1>
            %add3A_135 = arith.constant 1280000 : i32
            %add3A_136 = vector.broadcast %add3A_135 : i32 to vector<16xi32>
            %add3A_137 = arith.addi %add3A_136, %iota3A : vector<16xi32>
            %select_n3A = arith.select %and3A_134, %get3A_122, %add3A_137 : vector<16xi1>, vector<16xi32>
            %swap3A_138 = arith.index_cast %mul3A_120 : i32 to index
            %swap3A_139 = tpu.vector_load %arg8[%swap3A_138] {strides = array<i32>} : memref<4000xi32, #tpu.memory_space<vmem>>, vector<16xi32>,
            %swap3A_140 = vector.shape_cast %swap3A_139 : vector<16xi32> to vector<16xi32>
            %swap3A_141 = vector.shape_cast %select_n3A : vector<16xi32> to vector<16xi32>
            tpu.vector_store %arg8[%swap3A_138], %swap3A_141 {strides = array<i32>} : memref<4000xi32, #tpu.memory_space<vmem>>, vector<16xi32>,
            %swap3A_142 = arith.index_cast %mul3A_120 : i32 to index
            %swap3A_143 = tpu.vector_load %arg9[%swap3A_142] {strides = array<i32>} : memref<4000xi32, #tpu.memory_space<vmem>>, vector<16xi32>,
            %swap3A_144 = vector.shape_cast %swap3A_143 : vector<16xi32> to vector<16xi32>
            %swap3A_145 = vector.shape_cast %add3A_127 : vector<16xi32> to vector<16xi32>
            tpu.vector_store %arg9[%swap3A_142], %swap3A_145 {strides = array<i32>} : memref<4000xi32, #tpu.memory_space<vmem>>, vector<16xi32>,
            %jit3A = arith.constant 1 : i32
            %jit3A_146 = arith.constant 0 : i32
            %broadcast_in_dim3A_147 = vector.broadcast %jit3A : i32 to vector<16xi32>
            %broadcast_in_dim3A_148 = vector.broadcast %jit3A_146 : i32 to vector<16xi32>
            %select_n3A_149 = arith.select %and3A_134, %broadcast_in_dim3A_147, %broadcast_in_dim3A_148 : vector<16xi1>, vector<16xi32>
            %add3A_150 = arith.addi %scan3A_118, %select_n3A_149 : vector<16xi32>
            scf.yield %add3A_150 : vector<16xi32>
          }
          %scan3A_116 = arith.constant 250 : i32
          "tpu.region"() ({
            %run_scoped3A = tpu.sem_alloc : memref<!tpu.dma_semaphore, #tpu.memory_space<semaphore_mem>>
            %dma_start3A = arith.constant 0 : i32
            %dma_start3A_117 = tpu.memref_slice %arg15[%dma_start3A] : memref<1280512xi32, #tpu.memory_space<vmem_shared>> -> memref<1280512xi32, #tpu.memory_space<vmem_shared>>
            tpu.enqueue_indirect_dma source(%arg9 : memref<4000xi32, #tpu.memory_space<vmem>>) target(%dma_start3A_117 : memref<1280512xi32, #tpu.memory_space<vmem_shared>>) offsets(%arg8 : memref<4000xi32, #tpu.memory_space<vmem>>) semaphore(%run_scoped3A : memref<!tpu.dma_semaphore, #tpu.memory_space<semaphore_mem>>)
            %dma_wait3A = arith.constant 0 : i32
            %dma_wait3A_118 = tpu.memref_slice %arg15[%dma_wait3A] : memref<1280512xi32, #tpu.memory_space<vmem_shared>> -> memref<1280512xi32, #tpu.memory_space<vmem_shared>>
            tpu.wait_indirect_dma semaphore(%run_scoped3A : memref<!tpu.dma_semaphore, #tpu.memory_space<semaphore_mem>>) src(%arg9 : memref<4000xi32, #tpu.memory_space<vmem>>) dst(%dma_wait3A_118 : memref<1280512xi32, #tpu.memory_space<vmem_shared>>)
            tpu.yield
          }) : () -> ()
          scf.yield %scan3A_115 : vector<16xi32>
        }
        %scan3A_43 = arith.constant 20 : i32
        %swap3A = arith.constant 0 : index
        %swap3A_44 = tpu.vector_load %arg9[%swap3A] {strides = array<i32>} : memref<4000xi32, #tpu.memory_space<vmem>>, vector<16xi32>,
        %swap3A_45 = vector.shape_cast %swap3A_44 : vector<16xi32> to vector<16xi32>
        %swap3A_46 = vector.shape_cast %scan3A_42 : vector<16xi32> to vector<16xi32>
        tpu.vector_store %arg9[%swap3A], %swap3A_46 {strides = array<i32>} : memref<4000xi32, #tpu.memory_space<vmem>>, vector<16xi32>,
        %mul3A_47 = arith.constant 16 : i32
        %mul3A_48 = arith.muli %arg1, %mul3A_47 : i32
        %add3A = arith.constant 1280256 : i32
        %add3A_49 = arith.addi %add3A, %mul3A_48 : i32
        "tpu.region"() ({
          %run_scoped3A = tpu.sem_alloc : memref<!tpu.dma_semaphore, #tpu.memory_space<semaphore_mem>>
          %dma_start3A = arith.constant 0 : i32
          %dma_start3A_97 = tpu.memref_slice %arg9[%dma_start3A] : memref<4000xi32, #tpu.memory_space<vmem>> -> memref<16xi32, #tpu.memory_space<vmem>>
          %dma_start3A_98 = tpu.memref_slice %arg15[%add3A_49] : memref<1280512xi32, #tpu.memory_space<vmem_shared>> -> memref<16xi32, #tpu.memory_space<vmem_shared>>
          %dma_start3A_99 = tpu.memref_slice %arg15[%add3A_49] : memref<1280512xi32, #tpu.memory_space<vmem_shared>> -> memref<16xi32, #tpu.memory_space<vmem_shared>>
          %dma_start3A_100 = arith.constant 0 : i32
          %dma_start3A_101 = tpu.memref_slice %arg9[%dma_start3A_100] : memref<4000xi32, #tpu.memory_space<vmem>> -> memref<16xi32, #tpu.memory_space<vmem>>
          tpu.enqueue_dma source(%dma_start3A_101 : memref<16xi32, #tpu.memory_space<vmem>>) target(%dma_start3A_99 : memref<16xi32, #tpu.memory_space<vmem_shared>>) target_semaphore(%run_scoped3A : memref<!tpu.dma_semaphore, #tpu.memory_space<semaphore_mem>>)
          %dma_wait3A = arith.constant 0 : i32
          %dma_wait3A_102 = tpu.memref_slice %arg9[%dma_wait3A] : memref<4000xi32, #tpu.memory_space<vmem>> -> memref<16xi32, #tpu.memory_space<vmem>>
          %dma_wait3A_103 = tpu.memref_slice %arg15[%add3A_49] : memref<1280512xi32, #tpu.memory_space<vmem_shared>> -> memref<16xi32, #tpu.memory_space<vmem_shared>>
          %dma_wait3A_104 = tpu.memref_slice %arg15[%add3A_49] : memref<1280512xi32, #tpu.memory_space<vmem_shared>> -> memref<16xi32, #tpu.memory_space<vmem_shared>>
          %dma_wait3A_105 = arith.constant 0 : i32
          %dma_wait3A_106 = tpu.memref_slice %arg9[%dma_wait3A_105] : memref<4000xi32, #tpu.memory_space<vmem>> -> memref<16xi32, #tpu.memory_space<vmem>>
          tpu.wait_dma2 semaphore(%run_scoped3A : memref<!tpu.dma_semaphore, #tpu.memory_space<semaphore_mem>>) src(%dma_wait3A_106 : memref<16xi32, #tpu.memory_space<vmem>>) dst(%dma_wait3A_104 : memref<16xi32, #tpu.memory_space<vmem_shared>>)
          tpu.yield
        }) : () -> ()
        %barrier3A_50 = arith.constant 0 : index
        tpu.barrier barrier_id(%barrier3A_50)
        "tpu.region"() ({
          %run_scoped3A = tpu.sem_alloc : memref<!tpu.dma_semaphore, #tpu.memory_space<semaphore_mem>>
          %dma_start3A = arith.constant 1280256 : i32
          %dma_start3A_97 = tpu.memref_slice %arg15[%dma_start3A] : memref<1280512xi32, #tpu.memory_space<vmem_shared>> -> memref<256xi32, #tpu.memory_space<vmem_shared>>
          %dma_start3A_98 = arith.constant 1280256 : i32
          %dma_start3A_99 = tpu.memref_slice %arg15[%dma_start3A_98] : memref<1280512xi32, #tpu.memory_space<vmem_shared>> -> memref<256xi32, #tpu.memory_space<vmem_shared>>
          tpu.enqueue_dma source(%dma_start3A_99 : memref<256xi32, #tpu.memory_space<vmem_shared>>) target(%arg14 : memref<256xi32, #tpu.memory_space<vmem>>) target_semaphore(%run_scoped3A : memref<!tpu.dma_semaphore, #tpu.memory_space<semaphore_mem>>)
          %dma_wait3A = arith.constant 1280256 : i32
          %dma_wait3A_100 = tpu.memref_slice %arg15[%dma_wait3A] : memref<1280512xi32, #tpu.memory_space<vmem_shared>> -> memref<256xi32, #tpu.memory_space<vmem_shared>>
          %dma_wait3A_101 = arith.constant 1280256 : i32
          %dma_wait3A_102 = tpu.memref_slice %arg15[%dma_wait3A_101] : memref<1280512xi32, #tpu.memory_space<vmem_shared>> -> memref<256xi32, #tpu.memory_space<vmem_shared>>
          tpu.wait_dma2 semaphore(%run_scoped3A : memref<!tpu.dma_semaphore, #tpu.memory_space<semaphore_mem>>) src(%dma_wait3A_102 : memref<256xi32, #tpu.memory_space<vmem_shared>>) dst(%arg14 : memref<256xi32, #tpu.memory_space<vmem>>)
          tpu.yield
        }) : () -> ()
        %broadcast_in_dim3A_51 = arith.constant 0 : i32
        %broadcast_in_dim3A_52 = vector.broadcast %broadcast_in_dim3A_51 : i32 to vector<16xi32>
        %scan3A_53 = arith.constant 0 : i32
        %scan3A_54 = arith.constant 16 : i32
        %scan3A_55 = arith.addi %scan3A_53, %scan3A_54 : i32
        %scan3A_56 = arith.constant 1 : i32
        %scan3A_57 = scf.for %scan3A_97 = %scan3A_53 to %scan3A_55 step %scan3A_56 iter_args(%scan3A_98 = %broadcast_in_dim3A_52) -> (vector<16xi32>)  : i32 {
          %mul3A_99 = arith.constant 16 : i32
          %mul3A_100 = arith.muli %scan3A_97, %mul3A_99 : i32
          %get3A = arith.index_cast %mul3A_100 : i32 to index
          %get3A_101 = tpu.vector_load %arg14[%get3A] {strides = array<i32>} : memref<256xi32, #tpu.memory_space<vmem>>, vector<16xi32>,
          %get3A_102 = vector.shape_cast %get3A_101 : vector<16xi32> to vector<16xi32>
          %add3A_103 = arith.addi %scan3A_98, %get3A_102 : vector<16xi32>
          scf.yield %add3A_103 : vector<16xi32>
        }
        %scan3A_58 = arith.constant 16 : i32
        %barrier3A_59 = arith.constant 0 : index
        tpu.barrier barrier_id(%barrier3A_59)
        %add3A_60 = arith.constant 8 : i32
        %add3A_61 = vector.broadcast %add3A_60 : i32 to vector<16xi32>
        %add3A_62 = arith.addi %iota3A, %add3A_61 : vector<16xi32>
        %and3A = arith.constant 15 : i32
        %and3A_63 = vector.broadcast %and3A : i32 to vector<16xi32>
        %and3A_64 = arith.andi %add3A_62, %and3A_63 : vector<16xi32>
        %reshape3A = vector.shape_cast %and3A_64 : vector<16xi32> to vector<16x1xi32>
        %gather3A = vector.shape_cast %reshape3A : vector<16x1xi32> to vector<16xi32>
        %gather3A_65 = tpu.dynamic_gather %scan3A_57[%gather3A] in [0] : vector<16xi32>, vector<16xi32> -> vector<16xi32>
        %add3A_66 = arith.addi %scan3A_57, %gather3A_65 : vector<16xi32>
        %add3A_67 = arith.constant 4 : i32
        %add3A_68 = vector.broadcast %add3A_67 : i32 to vector<16xi32>
        %add3A_69 = arith.addi %iota3A, %add3A_68 : vector<16xi32>
        %and3A_70 = arith.constant 15 : i32
        %and3A_71 = vector.broadcast %and3A_70 : i32 to vector<16xi32>
        %and3A_72 = arith.andi %add3A_69, %and3A_71 : vector<16xi32>
        %reshape3A_73 = vector.shape_cast %and3A_72 : vector<16xi32> to vector<16x1xi32>
        %gather3A_74 = vector.shape_cast %reshape3A_73 : vector<16x1xi32> to vector<16xi32>
        %gather3A_75 = tpu.dynamic_gather %add3A_66[%gather3A_74] in [0] : vector<16xi32>, vector<16xi32> -> vector<16xi32>
        %add3A_76 = arith.addi %add3A_66, %gather3A_75 : vector<16xi32>
        %add3A_77 = arith.constant 2 : i32
        %add3A_78 = vector.broadcast %add3A_77 : i32 to vector<16xi32>
        %add3A_79 = arith.addi %iota3A, %add3A_78 : vector<16xi32>
        %and3A_80 = arith.constant 15 : i32
        %and3A_81 = vector.broadcast %and3A_80 : i32 to vector<16xi32>
        %and3A_82 = arith.andi %add3A_79, %and3A_81 : vector<16xi32>
        %reshape3A_83 = vector.shape_cast %and3A_82 : vector<16xi32> to vector<16x1xi32>
        %gather3A_84 = vector.shape_cast %reshape3A_83 : vector<16x1xi32> to vector<16xi32>
        %gather3A_85 = tpu.dynamic_gather %add3A_76[%gather3A_84] in [0] : vector<16xi32>, vector<16xi32> -> vector<16xi32>
        %add3A_86 = arith.addi %add3A_76, %gather3A_85 : vector<16xi32>
        %add3A_87 = arith.constant 1 : i32
        %add3A_88 = vector.broadcast %add3A_87 : i32 to vector<16xi32>
        %add3A_89 = arith.addi %iota3A, %add3A_88 : vector<16xi32>
        %and3A_90 = arith.constant 15 : i32
        %and3A_91 = vector.broadcast %and3A_90 : i32 to vector<16xi32>
        %and3A_92 = arith.andi %add3A_89, %and3A_91 : vector<16xi32>
        %reshape3A_93 = vector.shape_cast %and3A_92 : vector<16xi32> to vector<16x1xi32>
        %gather3A_94 = vector.shape_cast %reshape3A_93 : vector<16x1xi32> to vector<16xi32>
        %gather3A_95 = tpu.dynamic_gather %add3A_86[%gather3A_94] in [0] : vector<16xi32>, vector<16xi32> -> vector<16xi32>
        %add3A_96 = arith.addi %add3A_86, %gather3A_95 : vector<16xi32>
        %slice3A = vector.extract_strided_slice %add3A_96 {offsets = [0], sizes = [1], strides = [1]} : vector<16xi32> to vector<1xi32>
        %squeeze3A = vector.extract %slice3A[0] : i32 from vector<1xi32>
        scf.yield %squeeze3A : i32
      } else {
        scf.yield %scan3A_31 : i32
      }
      scf.yield %cond3A_36 : i32
    }
    %scan3A_22 = arith.constant 12 : i32
    %scan3A_23 = arith.constant 0 : i32
    %scan3A_24 = arith.constant 0 : i32
    %scan3A_25 = arith.constant 40 : i32
    %scan3A_26 = arith.addi %scan3A_24, %scan3A_25 : i32
    %scan3A_27 = arith.constant 1 : i32
    %scan3A_28 = scf.for %scan3A_30 = %scan3A_24 to %scan3A_26 step %scan3A_27 iter_args(%scan3A_31 = %scan3A_23) -> (i32)  : i32 {
      %mul3A_32 = arith.constant 10000 : i32
      %mul3A_33 = arith.muli %arg1, %mul3A_32 : i32
      %mul3A_34 = arith.constant 8 : i32
      %mul3A_35 = arith.muli %mul3A_33, %mul3A_34 : i32
      %mul3A_36 = arith.constant 2000 : i32
      %mul3A_37 = arith.muli %scan3A_30, %mul3A_36 : i32
      %add3A = arith.addi %mul3A_35, %mul3A_37 : i32
      "tpu.region"() ({
        %run_scoped3A = tpu.sem_alloc : memref<!tpu.dma_semaphore, #tpu.memory_space<semaphore_mem>>
        %dma_start3A = tpu.memref_slice %arg15[%add3A] : memref<1280512xi32, #tpu.memory_space<vmem_shared>> -> memref<2000xi32, #tpu.memory_space<vmem_shared>>
        %dma_start3A_56 = tpu.memref_slice %arg15[%add3A] : memref<1280512xi32, #tpu.memory_space<vmem_shared>> -> memref<2000xi32, #tpu.memory_space<vmem_shared>>
        tpu.enqueue_dma source(%dma_start3A_56 : memref<2000xi32, #tpu.memory_space<vmem_shared>>) target(%arg12 : memref<2000xi32, #tpu.memory_space<vmem>>) target_semaphore(%run_scoped3A : memref<!tpu.dma_semaphore, #tpu.memory_space<semaphore_mem>>)
        %dma_wait3A = tpu.memref_slice %arg15[%add3A] : memref<1280512xi32, #tpu.memory_space<vmem_shared>> -> memref<2000xi32, #tpu.memory_space<vmem_shared>>
        %dma_wait3A_57 = tpu.memref_slice %arg15[%add3A] : memref<1280512xi32, #tpu.memory_space<vmem_shared>> -> memref<2000xi32, #tpu.memory_space<vmem_shared>>
        tpu.wait_dma2 semaphore(%run_scoped3A : memref<!tpu.dma_semaphore, #tpu.memory_space<semaphore_mem>>) src(%dma_wait3A_57 : memref<2000xi32, #tpu.memory_space<vmem_shared>>) dst(%arg12 : memref<2000xi32, #tpu.memory_space<vmem>>)
        tpu.yield
      }) : () -> ()
      %scan3A_38 = arith.constant 0 : i32
      %scan3A_39 = arith.constant 0 : i32
      %scan3A_40 = arith.constant 125 : i32
      %scan3A_41 = arith.addi %scan3A_39, %scan3A_40 : i32
      %scan3A_42 = arith.constant 1 : i32
      %scan3A_43 = scf.for %scan3A_56 = %scan3A_39 to %scan3A_41 step %scan3A_42 iter_args(%scan3A_57 = %scan3A_38) -> (i32)  : i32 {
        %mul3A_58 = arith.constant 16 : i32
        %mul3A_59 = arith.muli %scan3A_56, %mul3A_58 : i32
        %get3A = arith.index_cast %mul3A_59 : i32 to index
        %get3A_60 = tpu.vector_load %arg12[%get3A] {strides = array<i32>} : memref<2000xi32, #tpu.memory_space<vmem>>, vector<16xi32>,
        %get3A_61 = vector.shape_cast %get3A_60 : vector<16xi32> to vector<16xi32>
        %mul3A_62 = arith.constant 16 : i32
        %mul3A_63 = arith.muli %scan3A_56, %mul3A_62 : i32
        %add3A_64 = arith.addi %add3A, %mul3A_63 : i32
        %add3A_65 = vector.broadcast %add3A_64 : i32 to vector<16xi32>
        %add3A_66 = arith.addi %add3A_65, %iota3A : vector<16xi32>
        %lt3A = arith.constant 0 : i32
        %lt3A_67 = vector.broadcast %lt3A : i32 to vector<16xi32>
        %lt3A_68 = arith.cmpi slt, %get3A_61, %lt3A_67 : vector<16xi32>
        %and3A = arith.constant 1023 : i32
        %and3A_69 = vector.broadcast %and3A : i32 to vector<16xi32>
        %and3A_70 = arith.andi %add3A_66, %and3A_69 : vector<16xi32>
        %add3A_71 = arith.constant 1280000 : i32
        %add3A_72 = vector.broadcast %add3A_71 : i32 to vector<16xi32>
        %add3A_73 = arith.addi %add3A_72, %and3A_70 : vector<16xi32>
        %select_n3A = arith.select %lt3A_68, %add3A_73, %get3A_61 : vector<16xi1>, vector<16xi32>
        %swap3A = arith.index_cast %mul3A_59 : i32 to index
        %swap3A_74 = tpu.vector_load %arg11[%swap3A] {strides = array<i32>} : memref<2000xi32, #tpu.memory_space<vmem>>, vector<16xi32>,
        %swap3A_75 = vector.shape_cast %swap3A_74 : vector<16xi32> to vector<16xi32>
        %swap3A_76 = vector.shape_cast %select_n3A : vector<16xi32> to vector<16xi32>
        tpu.vector_store %arg11[%swap3A], %swap3A_76 {strides = array<i32>} : memref<2000xi32, #tpu.memory_space<vmem>>, vector<16xi32>,
        %scan3A_77 = arith.constant 0 : i32
        scf.yield %scan3A_77 : i32
      }
      %scan3A_44 = arith.constant 125 : i32
      "tpu.region"() ({
        %run_scoped3A = tpu.sem_alloc : memref<!tpu.dma_semaphore, #tpu.memory_space<semaphore_mem>>
        %dma_start3A = arith.constant 0 : i32
        %dma_start3A_56 = arith.constant 0 : i32
        %dma_start3A_57 = tpu.memref_slice %arg4[%dma_start3A, %dma_start3A_56] : memref<1281024x8xf32, #tpu.memory_space<hbm>> -> memref<1281024x8xf32, #tpu.memory_space<hbm>>
        tpu.enqueue_indirect_dma source(%dma_start3A_57 : memref<1281024x8xf32, #tpu.memory_space<hbm>>) target(%arg13 : memref<2000x8xf32, #tpu.memory_space<vmem>>) offsets(%arg11 : memref<2000xi32, #tpu.memory_space<vmem>>) semaphore(%run_scoped3A : memref<!tpu.dma_semaphore, #tpu.memory_space<semaphore_mem>>)
        %dma_wait3A = arith.constant 0 : i32
        %dma_wait3A_58 = arith.constant 0 : i32
        %dma_wait3A_59 = tpu.memref_slice %arg4[%dma_wait3A, %dma_wait3A_58] : memref<1281024x8xf32, #tpu.memory_space<hbm>> -> memref<1281024x8xf32, #tpu.memory_space<hbm>>
        tpu.wait_indirect_dma semaphore(%run_scoped3A : memref<!tpu.dma_semaphore, #tpu.memory_space<semaphore_mem>>) src(%dma_wait3A_59 : memref<1281024x8xf32, #tpu.memory_space<hbm>>) dst(%arg13 : memref<2000x8xf32, #tpu.memory_space<vmem>>)
        tpu.yield
      }) : () -> ()
      %mul3A_45 = arith.constant 16 : i32
      %mul3A_46 = arith.muli %arg0, %mul3A_45 : i32
      %add3A_47 = arith.addi %mul3A_46, %arg1 : i32
      %mul3A_48 = arith.constant 10000 : i32
      %mul3A_49 = arith.muli %add3A_47, %mul3A_48 : i32
      %mul3A_50 = arith.constant 8 : i32
      %mul3A_51 = arith.muli %mul3A_49, %mul3A_50 : i32
      %mul3A_52 = arith.constant 2000 : i32
      %mul3A_53 = arith.muli %scan3A_30, %mul3A_52 : i32
      %add3A_54 = arith.addi %mul3A_51, %mul3A_53 : i32
      "tpu.region"() ({
        %run_scoped3A = tpu.sem_alloc : memref<!tpu.dma_semaphore, #tpu.memory_space<semaphore_mem>>
        %dma_start3A = arith.constant 0 : i32
        %dma_start3A_56 = tpu.memref_slice %arg5[%add3A_54, %dma_start3A] : memref<2560000x8xf32, #tpu.memory_space<hbm>> -> memref<2000x8xf32, #tpu.memory_space<hbm>>
        %dma_start3A_57 = arith.constant 0 : i32
        %dma_start3A_58 = tpu.memref_slice %arg5[%add3A_54, %dma_start3A_57] : memref<2560000x8xf32, #tpu.memory_space<hbm>> -> memref<2000x8xf32, #tpu.memory_space<hbm>>
        tpu.enqueue_dma source(%arg13 : memref<2000x8xf32, #tpu.memory_space<vmem>>) target(%dma_start3A_58 : memref<2000x8xf32, #tpu.memory_space<hbm>>) target_semaphore(%run_scoped3A : memref<!tpu.dma_semaphore, #tpu.memory_space<semaphore_mem>>)
        %dma_wait3A = arith.constant 0 : i32
        %dma_wait3A_59 = tpu.memref_slice %arg5[%add3A_54, %dma_wait3A] : memref<2560000x8xf32, #tpu.memory_space<hbm>> -> memref<2000x8xf32, #tpu.memory_space<hbm>>
        %dma_wait3A_60 = arith.constant 0 : i32
        %dma_wait3A_61 = tpu.memref_slice %arg5[%add3A_54, %dma_wait3A_60] : memref<2560000x8xf32, #tpu.memory_space<hbm>> -> memref<2000x8xf32, #tpu.memory_space<hbm>>
        tpu.wait_dma2 semaphore(%run_scoped3A : memref<!tpu.dma_semaphore, #tpu.memory_space<semaphore_mem>>) src(%arg13 : memref<2000x8xf32, #tpu.memory_space<vmem>>) dst(%dma_wait3A_61 : memref<2000x8xf32, #tpu.memory_space<hbm>>)
        tpu.yield
      }) : () -> ()
      %scan3A_55 = arith.constant 0 : i32
      scf.yield %scan3A_55 : i32
    }
    %scan3A_29 = arith.constant 40 : i32
    return
  }
}

module attributes {stable_mosaic.version = 14 : i64} {
  func.func @_mm_body(%arg0: i32, %arg1: memref<6400x16xf32, #tpu.memory_space<vmem>>, %arg2: memref<448x16xf32, #tpu.memory_space<vmem>>, %arg3: memref<448x6400xf32, #tpu.memory_space<vmem>>) attributes {dimension_semantics = [#tpu.dimension_semantics<arbitrary>], iteration_bounds = array<i64: 50>, scalar_prefetch = 0 : i64, scratch_operands = 0 : i64, tpu.core_type = #tpu.core_type<tc>, window_params = [{transform_indices = @transform_0, window_bounds = array<i64: 6400, 16>}, {pipeline_mode = #tpu.pipeline_mode<synchronous>, transform_indices = @transform_1, window_bounds = array<i64: 448, 16>}, {transform_indices = @transform_2, window_bounds = array<i64: 448, 6400>}]} {
    %get3A = arith.constant 0 : index
    %get3A_0 = arith.constant 0 : index
    %get3A_1 = vector.load %arg2[%get3A, %get3A_0] : memref<448x16xf32, #tpu.memory_space<vmem>>, vector<448x16xf32>
    %get3A_2 = arith.constant 0 : index
    %get3A_3 = arith.constant 0 : index
    %get3A_4 = vector.load %arg1[%get3A_2, %get3A_3] : memref<6400x16xf32, #tpu.memory_space<vmem>>, vector<6400x16xf32>
    %dot_general3A = arith.constant dense<0.000000e+00> : vector<448x6400xf32>
    %dot_general3A_5 = tpu.matmul %get3A_1, %get3A_4, %dot_general3A {dimension_numbers = #tpu.dot_dimension_numbers<[1], [1], [0], [0], [0, 0, 1, 0], [], []>, transpose_lhs_hint = false} : vector<448x16xf32>, vector<6400x16xf32>, vector<448x6400xf32> -> vector<448x6400xf32>
    %swap3A = arith.constant 0 : index
    %swap3A_6 = arith.constant 0 : index
    %swap3A_7 = vector.load %arg3[%swap3A, %swap3A_6] : memref<448x6400xf32, #tpu.memory_space<vmem>>, vector<448x6400xf32>
    tpu.vector_store %arg3[%swap3A, %swap3A_6], %dot_general3A_5 {strides = array<i32>} : memref<448x6400xf32, #tpu.memory_space<vmem>>, vector<448x6400xf32>,
    return
  }
  func.func @transform_0(%arg0: i32) -> (i32, i32) {
    %c0_i32 = arith.constant 0 : i32
    %c0_i32_0 = arith.constant 0 : i32
    return %arg0, %c0_i32 : i32, i32
  }
  func.func @transform_1(%arg0: i32) -> (i32, i32) {
    %c0_i32 = arith.constant 0 : i32
    %c0_i32_0 = arith.constant 0 : i32
    %c0_i32_1 = arith.constant 0 : i32
    return %c0_i32, %c0_i32_0 : i32, i32
  }
  func.func @transform_2(%arg0: i32) -> (i32, i32) {
    %c0_i32 = arith.constant 0 : i32
    %c0_i32_0 = arith.constant 0 : i32
    return %c0_i32, %arg0 : i32, i32
  }
}

module attributes {stable_mosaic.version = 14 : i64} {
  func.func @_perm_body(%arg0: i32, %arg1: memref<6400x64xf32, #tpu.memory_space<vmem>>, %arg2: memref<56x64xf32, #tpu.memory_space<vmem>>, %arg3: memref<56x6400xf32, #tpu.memory_space<vmem>>) attributes {dimension_semantics = [#tpu.dimension_semantics<arbitrary>], iteration_bounds = array<i64: 50>, scalar_prefetch = 0 : i64, scratch_operands = 0 : i64, tpu.core_type = #tpu.core_type<tc>, window_params = [{transform_indices = @transform_0, window_bounds = array<i64: 6400, 64>}, {pipeline_mode = #tpu.pipeline_mode<synchronous>, transform_indices = @transform_1, window_bounds = array<i64: 56, 64>}, {transform_indices = @transform_2, window_bounds = array<i64: 56, 6400>}]} {
    %get3A = arith.constant 0 : index
    %get3A_0 = arith.constant 0 : index
    %get3A_1 = vector.load %arg2[%get3A, %get3A_0] : memref<56x64xf32, #tpu.memory_space<vmem>>, vector<56x64xf32>
    %get3A_2 = arith.constant 0 : index
    %get3A_3 = arith.constant 0 : index
    %get3A_4 = vector.load %arg1[%get3A_2, %get3A_3] : memref<6400x64xf32, #tpu.memory_space<vmem>>, vector<6400x64xf32>
    %dot_general3A = arith.constant dense<0.000000e+00> : vector<56x6400xf32>
    %dot_general3A_5 = tpu.matmul %get3A_1, %get3A_4, %dot_general3A {dimension_numbers = #tpu.dot_dimension_numbers<[1], [1], [0], [0], [0, 0, 1, 0], [], []>, precision = #tpu.contract_precision<fp32>, transpose_lhs_hint = false} : vector<56x64xf32>, vector<6400x64xf32>, vector<56x6400xf32> -> vector<56x6400xf32>
    %swap3A = arith.constant 0 : index
    %swap3A_6 = arith.constant 0 : index
    %swap3A_7 = vector.load %arg3[%swap3A, %swap3A_6] : memref<56x6400xf32, #tpu.memory_space<vmem>>, vector<56x6400xf32>
    tpu.vector_store %arg3[%swap3A, %swap3A_6], %dot_general3A_5 {strides = array<i32>} : memref<56x6400xf32, #tpu.memory_space<vmem>>, vector<56x6400xf32>,
    return
  }
  func.func @transform_0(%arg0: i32) -> (i32, i32) {
    %c0_i32 = arith.constant 0 : i32
    %c0_i32_0 = arith.constant 0 : i32
    return %arg0, %c0_i32 : i32, i32
  }
  func.func @transform_1(%arg0: i32) -> (i32, i32) {
    %c0_i32 = arith.constant 0 : i32
    %c0_i32_0 = arith.constant 0 : i32
    %c0_i32_1 = arith.constant 0 : i32
    return %c0_i32, %c0_i32_0 : i32, i32
  }
  func.func @transform_2(%arg0: i32) -> (i32, i32) {
    %c0_i32 = arith.constant 0 : i32
    %c0_i32_0 = arith.constant 0 : i32
    return %c0_i32, %arg0 : i32, i32
  }
}

</mosaic_0001>

<sc_bundles>
// kernel: kernel.5.cloned.1.call-start
scs
__scs_entry_jumppad:
0x0: {  	(pc) =	sbr.rel $0x88, $3  }
0x1: {  	(tag) =	ssettag $0x0;
	lr =	simm.s32 $0x1  }
0x2: {  	[smem:$0x3F9C] =	sst lr;
	_ =	strace $0xD0000000  }
0x3: {  	_ = 	snop  }
0x4: {  	_ = 	snop  }
0x5: {  	_ = 	snop  }
0x6: {  	_ = 	snop  }
0x7: {  	_ = 	snop  }
__scs_overlays_trampoline_lowered:
0x8: {  	[smem:$0x3FAB] =	sst s0  }
0x9: {  	[smem:$0x3FAC] =	sst s1  }
0xa: {  	[smem:$0x3FAD] =	sst s2  }
0xb: {  	[smem:$0x3FAE] =	sst s3  }
0xc: {  	[smem:$0x3FAF] =	sst s4  }
0xd: {  	[smem:$0x3FB0] =	sst s5  }
0xe: {  	[smem:$0x3FB1] =	sst s6  }
0xf: {  	[smem:$0x3FB2] =	sst s7  }
0x10: {  	[smem:$0x3FB3] =	sst s8  }
0x11: {  	[smem:$0x3FB4] =	sst s9;
	s0 =	simm.s32 @!p0 $0x0  }
0x12: {  	s1 =	sld [smem:$0x3F9A];
	s0 =	simm.s32 @p0 $0x1  }
0x13: {  	[smem:$0x3FB5] =	sst s0;
	s0 =	simm.s32 @!p1 $0x0  }
0x14: {  	s2 =	sld [smem:$0x3F99];
	s0 =	simm.s32 @p1 $0x1  }
0x15: {  	[smem:$0x3FB6] =	sst s0;
	s0 =	simm.s32 @!p2 $0x0  }
0x16: {  	s3 =	sld [smem:$0x3FDB];
	s0 =	simm.s32 @p2 $0x1  }
0x17: {  	s4 =	simm.s32 $0x1BF5;
	[smem:$0x3FB8] =	sst s0  }
0x18: {  	s0 =	sld [smem:$0x3F9B];
	_ =	swait.ge [sflag:s4], $0x0  }
0x19: {  	s7 =	sld [smem:$0x3F9C]  }
0x1a: {  	s8 =	sadd.s32 $0xFFFFE003, lr  }
0x1b: {  	s9 =	sadd.s32 $0xFFFFFEF7, lr;
	s5 =	simm.s32 $0xFFFFFFFF;
	p2 =	slt.u32 s8, $0xFFFFF086  }
0x1c: {  	p1 =	slt.u32 s9, $0xF7A;
	s5 =	simm.s32 @!p2 $0x0  }
0x1d: {  	s5 =	simm.s32 @p1 $0x1;
	p0 =	seq.s32 s7, s2  }
0x1e: {  	s7 =	smul.u32 @!p0 $0xF7A, s2;
	p2 =	seq.s32 @!p0 s5, $0x0  }
0x1f: {  	s9 =	smul.u32 $0xF7A, s1;
	s8 =	simm.s32 @!p0 $0x1BF5;
	p2 =	por !p2, p0  }
0x20: {  	[sflag:s8] =	ssyncset.s32 @!p0 $0xFFFFF086;
	s6 =	sadd.s32 @!p0 s3, s7;
	s7 =	simm.s32 @!p0 $0x108  }
0x21: {  	s3 =	sadd.s32 s3, s9;
	s6 =	sadd.s32 @!p0 $0x88, s6;
	s7 =	simm.s32 @p2 $0x1082  }
0x22: {  	[simem:s7], [sflag:s8] =	dma.local @!p0 [hbm:s6], $0xF7A  }
0x23: {  	s9 =	sor.u32 $0xD0000000, s2;
	s6 =	simm.s32 $0x108;
	_ =	swait.ge @!p0 [sflag:s8], $0x0  }
0x24: {  	s3 =	sadd.s32 $0x88, s3;
	s6 =	simm.s32 @!p1 $0x1082;
	[sflag:s4] =	ssyncset.s32 $0xFFFFF086  }
0x25: {  	[simem:s6], [sflag:s4] =	dma.local [hbm:s3], $0xF7A  }
0x26: {  	[smem:$0x3F9C] =	sst s1;
	(tag) =	ssettag s2;
	_ =	strace s9  }
0x27: {  	s1 =	sld [smem:$0x3FAC]  }
0x28: {  	s2 =	sld [smem:$0x3FAD]  }
0x29: {  	s4 =	sld [smem:$0x3FAF]  }
0x2a: {  	p0 =	seq.s32 s5, $0x0;
	s5 =	sld [smem:$0x3FB0]  }
0x2b: {  	s6 =	sld [smem:$0x3FB1]  }
0x2c: {  	s7 =	sld [smem:$0x3FB2]  }
0x2d: {  	s3 =	simm.s32 $0x108;
	s8 =	sld [smem:$0x3FB3]  }
0x2e: {  	s3 =	simm.s32 @!p0 $0x1082;
	s9 =	sld [smem:$0x3FB4]  }
0x2f: {  	lr =	sadd.s32 s0, s3;
	s0 =	sld [smem:$0x3FAB]  }
0x30: {  	s3 =	sld [smem:$0x3FAE]  }
0x31: {  	[smem:$0x3FB7] =	sst s10  }
0x32: {  	s10 =	sld [smem:$0x3FB5];
	_ =	sdelay $0x3  }
0x33: {  	p0 =	seq.s32 s10, $0x1;
	s10 =	sld [smem:$0x3FB7];
	_ =	sdelay $0x3  }
0x34: {  	[smem:$0x3FB7] =	sst s10  }
0x35: {  	s10 =	sld [smem:$0x3FB6];
	_ =	sdelay $0x3  }
0x36: {  	p1 =	seq.s32 s10, $0x1;
	s10 =	sld [smem:$0x3FB7];
	_ =	sdelay $0x3  }
0x37: {  	[smem:$0x3FB7] =	sst s10  }
0x38: {  	s10 =	sld [smem:$0x3FB8]  }
0x39: {  	_ = 	snop;
	(pc) =	sbr.ind lr, $3  }
0x3a: {  	_ = 	snop  }
0x3b: {  	_ = 	snop  }
0x3c: {  	p2 =	seq.s32 s10, $0x1;
	s10 =	sld [smem:$0x3FB7]  }
0x3d: {  	_ =	shalt  }
0x3e: {  	_ =	shalt  }
0x3f: {  	_ =	shalt  }
0x40: {  	_ =	shalt  }
0x41: {  	_ =	shalt  }
0x42: {  	_ =	shalt  }
0x43: {  	_ =	shalt  }
0x44: {  	_ =	shalt  }
0x45: {  	_ =	shalt  }
0x46: {  	_ =	shalt  }
0x47: {  	_ =	shalt  }
0x48: {  	_ =	shalt  }
0x49: {  	_ =	shalt  }
0x4a: {  	_ =	shalt  }
0x4b: {  	_ =	shalt  }
0x4c: {  	_ =	shalt  }
0x4d: {  	_ =	shalt  }
0x4e: {  	_ =	shalt  }
0x4f: {  	_ =	shalt  }
0x50: {  	_ =	shalt  }
0x51: {  	_ =	shalt  }
0x52: {  	_ =	shalt  }
0x53: {  	_ =	shalt  }
0x54: {  	_ =	shalt  }
0x55: {  	_ =	shalt  }
0x56: {  	_ =	shalt  }
0x57: {  	_ =	shalt  }
0x58: {  	_ =	shalt  }
0x59: {  	_ =	shalt  }
0x5a: {  	_ =	shalt  }
0x5b: {  	_ =	shalt  }
0x5c: {  	_ =	shalt  }
0x5d: {  	_ =	shalt  }
0x5e: {  	_ =	shalt  }
0x5f: {  	_ =	shalt  }
0x60: {  	_ =	shalt  }
0x61: {  	_ =	shalt  }
0x62: {  	_ =	shalt  }
0x63: {  	_ =	shalt  }
0x64: {  	_ =	shalt  }
0x65: {  	_ =	shalt  }
0x66: {  	_ =	shalt  }
0x67: {  	_ =	shalt  }
0x68: {  	_ =	shalt  }
0x69: {  	_ =	shalt  }
0x6a: {  	_ =	shalt  }
0x6b: {  	_ =	shalt  }
0x6c: {  	_ =	shalt  }
0x6d: {  	_ =	shalt  }
0x6e: {  	_ =	shalt  }
0x6f: {  	_ =	shalt  }
0x70: {  	_ =	shalt  }
0x71: {  	_ =	shalt  }
0x72: {  	_ =	shalt  }
0x73: {  	_ =	shalt  }
0x74: {  	_ =	shalt  }
0x75: {  	_ =	shalt  }
0x76: {  	_ =	shalt  }
0x77: {  	_ =	shalt  }
0x78: {  	_ =	shalt  }
0x79: {  	_ =	shalt  }
0x7a: {  	_ =	shalt  }
0x7b: {  	_ =	shalt  }
0x7c: {  	_ =	shalt  }
0x7d: {  	_ =	shalt  }
0x7e: {  	_ =	shalt  }
0x7f: {  	_ =	shalt  }
0x80: {  	_ =	shalt  }
0x81: {  	_ =	shalt  }
0x82: {  	_ =	shalt  }
0x83: {  	_ =	shalt  }
0x84: {  	_ =	shalt  }
0x85: {  	_ =	shalt  }
0x86: {  	_ =	shalt  }
0x87: {  	_ =	shalt  }
.Lfunc_end0:
.L_simem_size_0:
called_computation_lowered:
.L_overlay_start_0:
0x88: {  	s2 =	sld [smem:$0x3FD9]  }
0x89: {  	s3 =	sld [smem:$0x3FFE];
	_ =	sdelay $0x1  }
0x8a: {  	s1 =	srdreg.scid  }
0x8b: {  	s0 =	sand.u32 $0x1, s1  }
0x8c: {  	s14 =	sshll.u32 s0, $0xA;
	s2 =	sadd.s32 s3, s2  }
0x8d: {  	s2 =	sadd.s32 s2, s14  }
0x8e: {  	[smem:$0x3FC3] =	sst s2  }
0x8f: {  	_ = 	snop  }
0x90: {  	s2 =	sld [smem:$0x3FD0];
	_ =	sdelay $0x1  }
0x91: {  	s15 =	sld [smem:$0x3FC7]  }
0x92: {  	s5 =	simm.s32 $0xA;
	s6 =	simm.s32 $0x10;
	s4 =	sld [smem:$0x3FC6]  }
0x93: {  	[smem:s6], [sflag:s5] =	dma.local [hbm:s2], $0x1  }
0x94: {  	_ =	swait.eq [sflag:s5], $0x1  }
0x95: {  	[sflag:s5] =	ssyncset.done $0x0  }
0x96: {  	[sflag:s5] =	ssyncadd.s32 $0xFFFFFFFF  }
0x97: {  	s16 =	sld [smem:$0x11];
	(tm) =	ssettm $0x1  }
0x98: {  	s17 =	sld [smem:$0x3FFB];
	_ =	sdelay $0x3  }
0x99: {  	_ =	strace s17  }
0x9a: {  	s5 =	sld [smem:$0x3FFC];
	_ =	sdelay $0x3  }
0x9b: {  	_ =	strace s5  }
0x9c: {  	s5 =	sld [smem:$0x3FFD];
	_ =	sdelay $0x3  }
0x9d: {  	_ =	strace s5  }
0x9e: {  	_ =	strace $0x8FFFFFFF  }
0x9f: {  	s18 =	sld [smem:$0x3FDB];
	_ =	sdelay $0x1  }
0xa0: {  	s19 =	simm.s32 $_scs_section_size  }
0xa1: {  	s7 =	simm.s32 $_size__tile_overlayer_lowered;
	s8 =	simm.s32 $_tile_overlayer_lowered  }
0xa2: {  	s22 =	simm.s32 $0x1BFF;
	s21 =	sshll.u32 s8, $0x1;
	s5 =	sadd.s32 s19, s18  }
0xa3: {  	s9 =	simm.s32 $0x0;
	s20 =	sshll.u32 s7, $0x1;
	s7 =	sadd.s32 s21, s5  }
0xa4: {  	[timem:s9], [sflag:s22] =	dma.local [hbm:s7], s20  }
0xa5: {  	_ =	swait.ge [sflag:s22], s20  }
0xa6: {  	s6 =	ssub.s32 $0x0, s20;
	[sflag:s22] =	ssyncset.done $0x0  }
0xa7: {  	[sflag:s22] =	ssyncadd.s32 s6;
	_ =	sdelay $0x1  }
0xa8: {  	s23 =	simm.s32 $0x1B8B  }
0xa9: {  	_ =	swait.ge [sflag:s23], $0x1  }
0xaa: {  	[sflag:s23] =	ssyncset.done $0x0  }
0xab: {  	s25 =	simm.s32 $0x1B8E;
	s24 =	sld [smem:$0x3FFE];
	[sflag:s23] =	ssyncadd.s32 $0xFFFFFFFF  }
0xac: {  	s26 =	simm.s32 $execute0_lowered;
	[smem:$0x3FD2] =	sst s25  }
0xad: {  	s7 =	sshll.u32 s26, $0x1;
	_ =	strace $0x80000046;
	[dreg:$0x1] =	wrdreg $0xFFFFFFFF  }
0xae: {  	s28 =	simm.s32 $_size_execute0_lowered;
	s5 =	sadd.s32 s5, s7;
	[dreg:$0x0] =	wrdreg $0x0  }
0xaf: {  	s7 =	sshll.u32 s28, $0x1;
	[dreg:$0x2] =	wrdreg s5  }
0xb0: {  	[dreg:$0x3] =	wrdreg s7  }
0xb1: {  	[dreg:$0x4] =	wrdreg $0xC0  }
0xb2: {  	_ =	task [dreg:s9], $0x5FFFF  }
0xb3: {  	[dreg:$0x1] =	wrdreg $0xFFFFFFFF  }
0xb4: {  	[dreg:$0x0] =	wrdreg $0x60  }
0xb5: {  	[dreg:$0x2] =	wrdreg s15  }
0xb6: {  	[dreg:$0x3] =	wrdreg s4  }
0xb7: {  	[dreg:$0x4] =	wrdreg s16  }
0xb8: {  	[dreg:$0x5] =	wrdreg s24  }
0xb9: {  	[dreg:$0x6] =	wrdreg $0x9D400  }
0xba: {  	[dreg:$0x7] =	wrdreg $0x9  }
0xbb: {  	_ =	task.clear_ibuf [dreg:s9], $0x8FFFF;
	_ =	strace $0x90000046  }
0xbc: {  	s29 =	simm.s32 $0x9;
	_ =	strace $0x80000048  }
0xbd: {  	_ =	swait.ge [sflag:s29], $0x1  }
0xbe: {  	[sflag:s29] =	ssyncadd.s32 $0xFFFFFFFF  }
0xbf: {  	_ =	strace $0x90000048  }
0xc0: {  	_ =	sfence  }
0xc1: {  	s30 =	sld [smem:$0x0];
	_ =	sdelay $0x2  }
0xc2: {  	s31 =	sshll.u32 s1, $0xD;
	s1 =	sshrl.u32 s1, $0x2  }
0xc3: {  	s3 =	sand.u32 $0x4000, s31;
	s1 =	sadd.s32 s1, s30  }
0xc4: {  	s0 =	sor.u32 s3, s0;
	s1 =	sshll.u32 s1, $0x11  }
0xc5: {  	s0 =	sor.u32 s1, s0  }
0xc6: {  	s0 =	sadd.s32 $0x8F2B, s0  }
0xc7: {  	[sflag:s0] =	ssyncadd.remote.s32 $0x1  }
0xc8: {  	_ =	sfence.sel $0xFFFF  }
0xc9: {  	[dreg:$0x0] =	wrdreg $0xFFFFFFFF;
	(pc) =	sbr.abs _section_cstart, $3  }
0xca: {  	[dreg:$0x1] =	wrdreg $0xFFFFFFFF  }
0xcb: {  	_ =	task.clear_ibuf [dreg:s9], $0x2FFFF;
	_ =	strace $0x9FFFFFFF  }
0xcc: {  	(tm) =	ssettm $0x7FFFFFFF  }
0xcd: {  	_ =	shalt  }
tec
execute0_lowered:
.L_overlay_start_1:
0x0: {  	(tag) =	ssettag $0x1  }
0x1: {  	s0 =	rddreg [dreg:$0x0]  }
0x2: {  	s1 =	rddreg [dreg:$0x1]  }
0x3: {  	s3 =	srdreg.scid;
	s2 =	rddreg [dreg:$0x2]  }
0x4: {  	s6 =	rddreg [dreg:$0x3];
	s8 =	stileid.u32  }
0x5: {  	s4 =	rddreg [dreg:$0x4];
	s3 =	sand.u32 $0x1, s3;
	s10 =	smul.u32 $0x4E200, s8  }
0x6: {  	s12 =	sadd.s32 $0x138800, s4;
	s5 =	sshll.u32 s3, $0x4;
	s9 =	ssub.s32 $0x2, s3  }
0x7: {  	s7 =	sor.u32 s8, s5;
	s5 =	simm.s32 $0x0;
	s23 =	sshrl.u32 s9, $0x1  }
0x8: {  	s24 =	sshrl.u32 s10, $0x2;
	s7 =	smul.u32 $0x13880, s7;
	[smem:$0x7FF] =	sst s5  }
0x9: {  	s9 =	ssub.s32 s9, s23;
	_ =	strace $0x80000047;
	[dreg:$0x6] =	wrdreg s12  }
0xa: {  	s11 =	sadd.s32 s7, s6;
	s6 =	sadd.s32 s24, s4;
	s24 =	smax.u32 s9, $0x1  }
0xb: {  	s26 =	sadd.s32 $0xFA0, s6;
	[dreg:$0x14] =	wrdreg s24  }
0xc: {  	s29 =	sadd.s32 $0x1F40, s6;
	[dreg:$0x7] =	wrdreg s26  }
0xd: {  	s13 =	sadd.s32 $0x2EE0, s6;
	[dreg:$0x8] =	wrdreg s29  }
0xe: {  	s25 =	sshll.u32 s8, $0x4;
	s14 =	sadd.s32 $0x3E80, s6;
	[dreg:$0x9] =	wrdreg s13  }
0xf: {  	s28 =	smul.u32 $0x13880, s8;
	s15 =	sadd.s32 $0x4E20, s6;
	[dreg:$0xa] =	wrdreg s14  }
0x10: {  	p0 =	sne.s32 s8, $0x0;
	s16 =	sadd.s32 $0x5DC0, s6;
	[dreg:$0xb] =	wrdreg s15  }
0x11: {  	s3 =	smul.u32 $0xFFEC7800, s3;
	s17 =	sadd.s32 $0x6D60, s6;
	[dreg:$0xc] =	wrdreg s16  }
0x12: {  	v0 =	vimm.s32 $0xFEDCBA98;
	v1 =	vimm.s32 $0x76543210;
	s8 =	simm.s32 $0x2EE0;
	s18 =	sadd.s32 $0x7D00, s6;
	[dreg:$0xd] =	wrdreg s17  }
0x13: {  	v4 =	vimm.s32 $0x3210FEDC;
	v5 =	vimm.s32 $0x10FEDCBA;
	v0 =	vunpack.c.l.s4.s8 v0;
	s12 =	simm.s32 $0x1;
	s19 =	sadd.s32 $0x8CA0, s6;
	[dreg:$0xe] =	wrdreg s18  }
0x14: {  	v6 =	vimm.s32 $0x98765432;
	v1 =	vunpack.c.l.s4.s8 v1;
	s7 =	sadd.s32 $0x138900, s4;
	s20 =	sadd.s32 $0x9C40, s6;
	[dreg:$0xf] =	wrdreg s19  }
0x15: {  	v7 =	vimm.s32 $0xFEDCBA9;
	v8 =	vimm.s32 $0x87654321;
	v2 =	vunpack.c.0.s8.s32 v0;
	s10 =	sadd.s32 s25, s7;
	s21 =	sadd.s32 $0xABE0, s6;
	[dreg:$0x10] =	wrdreg s20  }
0x16: {  	v5 =	vunpack.c.l.s4.s8 v5;
	v6 =	vunpack.c.l.s4.s8 v6;
	v3 =	vunpack.c.0.s8.s32 v1;
	s11 =	sadd.s32 $0x800, s11;
	s22 =	sadd.s32 $0xBB80, s6;
	[dreg:$0x11] =	wrdreg s21  }
0x17: {  	v7 =	vunpack.c.l.s4.s8 v7;
	v8 =	vunpack.c.l.s4.s8 v8;
	v2 =	vand.u32 $0xF, v2;
	s23 =	sadd.s32 $0xCB20, s6;
	s25 =	sadd.s32 $0xDAC0, s6;
	[dreg:$0x12] =	wrdreg s22  }
0x18: {  	v2 =	vcombine.low v2, v3;
	v3 =	vunpack.c.l.s4.s8 v4;
	v4 =	vimm.s32 $0xBA987654;
	s30 =	sadd.s32 $0x109A0, s6;
	s31 =	sadd.s32 $0x11940, s6;
	[dreg:$0x13] =	wrdreg s23  }
0x19: {  	v1 =	vlaneseq.u32;
	v0 =	vmov s3;
	v4 =	vunpack.c.l.s4.s8 v4;
	s3 =	sadd.s32 $0x128E0, s6;
	[dreg:$0x15] =	wrdreg s25;
	s26 =	sadd.s32 $0xEA60, s6  }
0x1a: {  	v10 =	vunpack.c.0.s8.s32 v5;
	v6 =	vunpack.c.0.s8.s32 v6;
	v11 =	vunpack.c.0.s8.s32 v7;
	s29 =	sadd.s32 $0xFA00, s6;
	s13 =	simm.s32 $0xFA0;
	s14 =	simm.s32 $0x1F40  }
0x1b: {  	v8 =	vunpack.c.0.s8.s32 v8;
	v9 =	vunpack.c.0.s8.s32 v3;
	s15 =	simm.s32 $0x3E80;
	s16 =	simm.s32 $0x9C40;
	s17 =	simm.s32 $0x55F0;
	v4 =	vunpack.c.0.s8.s32 v4  }
0x1c: {  	v7 =	vimm.s32 $0x0;
	v5 =	vor.u32 $0x138800, v1;
	v6 =	vcombine.low v6, v10;
	s18 =	simm.s32 $0x7D0;
	s19 =	simm.s32 $0x4E20;
	[dreg:$0x16] =	wrdreg s26  }
0x1d: {  	v8 =	vcombine.low v8, v11;
	v3 =	vimm.s32 $0xFFFFFFFF;
	s20 =	simm.s32 $0x5DC0;
	s21 =	simm.s32 $0x0;
	[dreg:$0x17] =	wrdreg s29;
	v4 =	vcombine.low v4, v9  }
.LBB2_1:
0x1e: {  	s9 =	simm.s32 $0x40;
	s22 =	simm.s32 $0x0  }
.LBB2_2:
0x1f: {  	p1 =	sne.s32 s9, $0x3E40;
	[tilespmem:s22+$0x2EE0] =	vst v3;
	s22 =	smov.u32 s9;
	s9 =	sadd.s32 $0x40, s9  }
.Ltmp0:
0x20: {  	(pc) =	sbr.rel @p1 .LBB2_2-.Ltmp0, $2  }
0x21: {  	_ =	sdelay $0x2  }
0x22: {  	s22 =	sshra.s32 s22, $0x2  }
0x23: {  	[tilespmem:s22+$0x2EE0] =	vst v3  }
0x24: {  	[spmem:s6] =	stream.linear.scatter [tilespmem:s8], [sflag:$0x1], $0xFA0, $0x38;
	[tilespmem:$0x1D5E0] =	vst v63  }
0x25: {  	_ =	swait.ge [sflag:s12], $0xFA0  }
0x26: {  	[sflag:s12] =	ssyncset.done $0x0  }
0x27: {  	s9 =	rddreg [dreg:$0x7];
	[sflag:s12] =	ssyncadd.s32 $0xFFFFF060  }
0x28: {  	[spmem:s9] =	stream.linear.scatter [tilespmem:s8], [sflag:$0x1], $0xFA0, $0x38;
	[tilespmem:$0x1D5E0] =	vst v63  }
0x29: {  	_ =	swait.ge [sflag:s12], $0xFA0  }
0x2a: {  	[sflag:s12] =	ssyncset.done $0x0  }
0x2b: {  	s25 =	rddreg [dreg:$0x8];
	[sflag:s12] =	ssyncadd.s32 $0xFFFFF060  }
0x2c: {  	[spmem:s25] =	stream.linear.scatter [tilespmem:s8], [sflag:$0x1], $0xFA0, $0x38;
	[tilespmem:$0x1D5E0] =	vst v63  }
0x2d: {  	_ =	swait.ge [sflag:s12], $0xFA0  }
0x2e: {  	[sflag:s12] =	ssyncset.done $0x0  }
0x2f: {  	s26 =	rddreg [dreg:$0x9];
	[sflag:s12] =	ssyncadd.s32 $0xFFFFF060  }
0x30: {  	[spmem:s26] =	stream.linear.scatter [tilespmem:s8], [sflag:$0x1], $0xFA0, $0x38;
	[tilespmem:$0x1D5E0] =	vst v63  }
0x31: {  	_ =	swait.ge [sflag:s12], $0xFA0  }
0x32: {  	[sflag:s12] =	ssyncset.done $0x0  }
0x33: {  	s29 =	rddreg [dreg:$0xa];
	[sflag:s12] =	ssyncadd.s32 $0xFFFFF060  }
0x34: {  	[spmem:s29] =	stream.linear.scatter [tilespmem:s8], [sflag:$0x1], $0xFA0, $0x38;
	[tilespmem:$0x1D5E0] =	vst v63  }
0x35: {  	_ =	swait.ge [sflag:s12], $0xFA0  }
0x36: {  	[sflag:s12] =	ssyncset.done $0x0  }
0x37: {  	s22 =	rddreg [dreg:$0xb];
	[sflag:s12] =	ssyncadd.s32 $0xFFFFF060  }
0x38: {  	[spmem:s22] =	stream.linear.scatter [tilespmem:s8], [sflag:$0x1], $0xFA0, $0x38;
	[tilespmem:$0x1D5E0] =	vst v63  }
0x39: {  	_ =	swait.ge [sflag:s12], $0xFA0  }
0x3a: {  	[sflag:s12] =	ssyncset.done $0x0  }
0x3b: {  	s23 =	rddreg [dreg:$0xc];
	[sflag:s12] =	ssyncadd.s32 $0xFFFFF060  }
0x3c: {  	[spmem:s23] =	stream.linear.scatter [tilespmem:s8], [sflag:$0x1], $0xFA0, $0x38;
	[tilespmem:$0x1D5E0] =	vst v63  }
0x3d: {  	_ =	swait.ge [sflag:s12], $0xFA0  }
0x3e: {  	[sflag:s12] =	ssyncset.done $0x0  }
0x3f: {  	s24 =	rddreg [dreg:$0xd];
	[sflag:s12] =	ssyncadd.s32 $0xFFFFF060  }
0x40: {  	[spmem:s24] =	stream.linear.scatter [tilespmem:s8], [sflag:$0x1], $0xFA0, $0x38;
	[tilespmem:$0x1D5E0] =	vst v63  }
0x41: {  	_ =	swait.ge [sflag:s12], $0xFA0  }
0x42: {  	[sflag:s12] =	ssyncset.done $0x0  }
0x43: {  	s25 =	rddreg [dreg:$0xe];
	[sflag:s12] =	ssyncadd.s32 $0xFFFFF060  }
0x44: {  	[spmem:s25] =	stream.linear.scatter [tilespmem:s8], [sflag:$0x1], $0xFA0, $0x38;
	[tilespmem:$0x1D5E0] =	vst v63  }
0x45: {  	_ =	swait.ge [sflag:s12], $0xFA0  }
0x46: {  	[sflag:s12] =	ssyncset.done $0x0  }
0x47: {  	s26 =	rddreg [dreg:$0xf];
	[sflag:s12] =	ssyncadd.s32 $0xFFFFF060  }
0x48: {  	[spmem:s26] =	stream.linear.scatter [tilespmem:s8], [sflag:$0x1], $0xFA0, $0x38;
	[tilespmem:$0x1D5E0] =	vst v63  }
0x49: {  	_ =	swait.ge [sflag:s12], $0xFA0  }
0x4a: {  	[sflag:s12] =	ssyncset.done $0x0  }
0x4b: {  	s29 =	rddreg [dreg:$0x10];
	[sflag:s12] =	ssyncadd.s32 $0xFFFFF060  }
0x4c: {  	[spmem:s29] =	stream.linear.scatter [tilespmem:s8], [sflag:$0x1], $0xFA0, $0x38;
	[tilespmem:$0x1D5E0] =	vst v63  }
0x4d: {  	_ =	swait.ge [sflag:s12], $0xFA0  }
0x4e: {  	[sflag:s12] =	ssyncset.done $0x0  }
0x4f: {  	s22 =	rddreg [dreg:$0x11];
	[sflag:s12] =	ssyncadd.s32 $0xFFFFF060  }
0x50: {  	[spmem:s22] =	stream.linear.scatter [tilespmem:s8], [sflag:$0x1], $0xFA0, $0x38;
	[tilespmem:$0x1D5E0] =	vst v63  }
0x51: {  	_ =	swait.ge [sflag:s12], $0xFA0  }
0x52: {  	[sflag:s12] =	ssyncset.done $0x0  }
0x53: {  	s23 =	rddreg [dreg:$0x12];
	[sflag:s12] =	ssyncadd.s32 $0xFFFFF060  }
0x54: {  	[spmem:s23] =	stream.linear.scatter [tilespmem:s8], [sflag:$0x1], $0xFA0, $0x38;
	[tilespmem:$0x1D5E0] =	vst v63  }
0x55: {  	_ =	swait.ge [sflag:s12], $0xFA0  }
0x56: {  	[sflag:s12] =	ssyncset.done $0x0  }
0x57: {  	s24 =	rddreg [dreg:$0x13];
	[sflag:s12] =	ssyncadd.s32 $0xFFFFF060  }
0x58: {  	[spmem:s24] =	stream.linear.scatter [tilespmem:s8], [sflag:$0x1], $0xFA0, $0x38;
	[tilespmem:$0x1D5E0] =	vst v63  }
0x59: {  	_ =	swait.ge [sflag:s12], $0xFA0  }
0x5a: {  	[sflag:s12] =	ssyncset.done $0x0  }
0x5b: {  	s25 =	rddreg [dreg:$0x15];
	[sflag:s12] =	ssyncadd.s32 $0xFFFFF060  }
0x5c: {  	[spmem:s25] =	stream.linear.scatter [tilespmem:s8], [sflag:$0x1], $0xFA0, $0x38;
	[tilespmem:$0x1D5E0] =	vst v63  }
0x5d: {  	_ =	swait.ge [sflag:s12], $0xFA0  }
0x5e: {  	[sflag:s12] =	ssyncset.done $0x0  }
0x5f: {  	s26 =	rddreg [dreg:$0x16];
	[sflag:s12] =	ssyncadd.s32 $0xFFFFF060  }
0x60: {  	[spmem:s26] =	stream.linear.scatter [tilespmem:s8], [sflag:$0x1], $0xFA0, $0x38;
	[tilespmem:$0x1D5E0] =	vst v63  }
0x61: {  	_ =	swait.ge [sflag:s12], $0xFA0  }
0x62: {  	[sflag:s12] =	ssyncset.done $0x0  }
0x63: {  	s29 =	rddreg [dreg:$0x17];
	[sflag:s12] =	ssyncadd.s32 $0xFFFFF060  }
0x64: {  	[spmem:s29] =	stream.linear.scatter [tilespmem:s8], [sflag:$0x1], $0xFA0, $0x38;
	[tilespmem:$0x1D5E0] =	vst v63  }
0x65: {  	_ =	swait.ge [sflag:s12], $0xFA0  }
0x66: {  	[sflag:s12] =	ssyncset.done $0x0  }
0x67: {  	[sflag:s12] =	ssyncadd.s32 $0xFFFFF060  }
0x68: {  	[spmem:s30] =	stream.linear.scatter [tilespmem:s8], [sflag:$0x1], $0xFA0, $0x38;
	[tilespmem:$0x1D5E0] =	vst v63  }
0x69: {  	_ =	swait.ge [sflag:s12], $0xFA0  }
0x6a: {  	[sflag:s12] =	ssyncset.done $0x0  }
0x6b: {  	[sflag:s12] =	ssyncadd.s32 $0xFFFFF060  }
0x6c: {  	[spmem:s31] =	stream.linear.scatter [tilespmem:s8], [sflag:$0x1], $0xFA0, $0x38;
	[tilespmem:$0x1D5E0] =	vst v63  }
0x6d: {  	_ =	swait.ge [sflag:s12], $0xFA0  }
0x6e: {  	[sflag:s12] =	ssyncset.done $0x0  }
0x6f: {  	[sflag:s12] =	ssyncadd.s32 $0xFFFFF060  }
0x70: {  	[spmem:s3] =	stream.linear.scatter [tilespmem:s8], [sflag:$0x1], $0xFA0, $0x38;
	[tilespmem:$0x1D5E0] =	vst v63  }
0x71: {  	_ =	swait.ge [sflag:s12], $0xFA0  }
0x72: {  	[sflag:s12] =	ssyncset.done $0x0  }
0x73: {  	s9 =	simm.s32 @!p0 $0x2EE0;
	s22 =	rddreg [dreg:$0x6];
	[sflag:s12] =	ssyncadd.s32 $0xFFFFF060  }
0x74: {  	[spmem:s22] =	stream.linear.scatter @!p0 [tilespmem:s9], [sflag:$0x1], $0x200, $0x38;
	[tilespmem:$0x1D5E0] =	vst v63  }
0x75: {  	s9 =	simm.s32 @!p0 $0x1  }
.Ltmp1:
0x76: {  	_ =	swait.ge @!p0 [sflag:s9], $0x200;
	(pc) =	sbr.rel .LBB2_4-.Ltmp1, $4  }
0x77: {  	[sflag:s9] =	ssyncset.done @!p0 $0x0  }
0x78: {  	[sflag:s9] =	ssyncadd.s32 @!p0 $0xFFFFFE00  }
0x79: {  	[bflag:$0x0] =	sbarrier.arrive $0xFFFF  }
0x7a: {  	s25 =	simm.s32 $0x1;
	s22 =	simm.s32 $0x0  }
.LBB2_11:
0x7b: {  	s22 =	sadd.s32 $0x1, s22  }
0x7c: {  	p1 =	sne.s32 s22, $0xC  }
.Ltmp2:
0x7d: {  	_ = 	snop;
	(pc) =	sbr.rel @!p1 .LBB2_12-.Ltmp2, $2  }
0x7e: {  	_ =	sdelay $0x2  }
0x7f: {  	s9 =	simm.s32 $0x0  }
.LBB2_4:
0x80: {  	p1 =	slt.s32 s25, $0x1  }
.Ltmp3:
0x81: {  	_ = 	snop;
	(pc) =	sbr.rel @p1 .LBB2_11-.Ltmp3, $2  }
0x82: {  	_ =	sdelay $0x2  }
0x83: {  	v9 =	vimm.s32 $0x0;
	s23 =	smov.u32 s28;
	s24 =	simm.s32 $0x0  }
.LBB2_5:
0x84: {  	s9 =	smul.u32 $0xFA0, s24;
	_ =	sdelay $0x1  }
0x85: {  	s9 =	sadd.s32 s28, s9  }
0x86: {  	s9 =	sshrl.u32 s9, $0x3  }
0x87: {  	s26 =	simm.s32 $0x0;
	s25 =	sadd.s32 s0, s9  }
0x88: {  	[tilespmem:s26], [sflag:$0x1] =	stream.linear.gather [hbm4b:s25+s26], $0xFA0, $0x38;
	[tilespmem:$0x1D5E0] =	vst v63  }
0x89: {  	_ =	swait.ge [sflag:s12], $0xFA0  }
0x8a: {  	[sflag:s12] =	ssyncset.done $0x0  }
0x8b: {  	s9 =	sadd.s32 s1, s9;
	[sflag:s12] =	ssyncadd.s32 $0xFFFFF060  }
0x8c: {  	[tilespmem:s13], [sflag:$0x1] =	stream.linear.gather [hbm4b:s9+s26], $0xFA0, $0x38;
	[tilespmem:$0x1D5E0] =	vst v63  }
0x8d: {  	_ =	swait.ge [sflag:s12], $0xFA0  }
0x8e: {  	[sflag:s12] =	ssyncset.done $0x0  }
0x8f: {  	s9 =	simm.s32 $0x0;
	[sflag:s12] =	ssyncadd.s32 $0xFFFFF060  }
0x90: {  	v10 =	vld [tilespmem:s9+$0x0]  }
0x91: {  	v11 =	vld [tilespmem:s9+$0xFA0];
	_ =	sdelay $0x2  }
0x92: {  	s25 =	simm.s32 $0x40  }
.LBB2_6:
0x93: {  	s26 =	sshra.s32 s25, $0x2;
	p1 =	sne.s32 s25, $0x3E40  }
.Ltmp4:
0x94: {  	s25 =	sadd.s32 $0x40, s25;
	v12 =	vshll.u32 v10, $0x3;
	v10 =	vld [tilespmem:s26+$0x0];
	v13 =	vadd.s32 v0, v11;
	(pc) =	sbr.rel @p1 .LBB2_6-.Ltmp4, $4  }
0x95: {  	v11 =	vld [tilespmem:s26+$0xFA0];
	v12 =	vadd.s32 v12, v13  }
0x96: {  	vm0 =	vlt.u32 v12, $0x138800  }
0x97: {  	v12 =	vsel vm0, v12, v5  }
0x98: {  	[tilespmem:s9+$0x1F40] =	vst v12;
	s9 =	smov.u32 s26  }
0x99: {  	_ = 	snop  }
0x9a: {  	v10 =	vshll.u32 v10, $0x3;
	v11 =	vadd.s32 v0, v11  }
0x9b: {  	v10 =	vadd.s32 v10, v11  }
0x9c: {  	vm0 =	vlt.u32 v10, $0x138800  }
0x9d: {  	v10 =	vsel vm0, v10, v5  }
0x9e: {  	[tilespmem:s9+$0x1F40] =	vst v10  }
0x9f: {  	[tilespmem:s15], [sflag:$0x1] =	stream.indirect.gather [spmem:s4], $0x1, s14, s13, $0xb8;
	[tilespmem:$0x1D5E0] =	vst v63  }
0xa0: {  	_ =	swait.ge [sflag:s12], $0xFA0  }
0xa1: {  	[sflag:s12] =	ssyncset.done $0x0  }
0xa2: {  	s29 =	simm.s32 $0x0;
	[sflag:s12] =	ssyncadd.s32 $0xFFFFF060  }
0xa3: {  	v10 =	vld [tilespmem:s29+$0x3E80]  }
0xa4: {  	v11 =	vld [tilespmem:s29+$0x1F40];
	_ =	sdelay $0x3  }
0xa5: {  	v12 =	vor.u32 s23, v1  }
0xa6: {  	vm15 =	vlt.s32 v11, $0x138800;
	vm1 =	vlt.s32 v10, v12  }
0xa7: {  	vm0 =	vmand vm15, vm1  }
0xa8: {  	s25 =	simm.s32 $0x10;
	[tilespmem:s29+$0x2EE0] =	vst v12;
	v11 =	vsel vm0, v11, v5;
	v63 =	vsel vm0, $0x1, v7  }
0xa9: {  	s26 =	simm.s32 $0x80;
	s9 =	smov.u32 s23;
	v10 =	vld [tilespmem:s25+$0x3E80];
	[tilespmem:s29+$0x1F40] =	vst v11;
	v9 =	vadd.s32 v63, v9  }
.LBB2_8:
0xaa: {  	p1 =	sne.s32 s26, $0x3E40;
	v11 =	vld [tilespmem:s25+$0x1F40];
	_ =	sdelay $0x2  }
0xab: {  	s9 =	sadd.s32 $0x10, s9  }
.Ltmp5:
0xac: {  	v12 =	vor.u32 s9, v1;
	(pc) =	sbr.rel @p1 .LBB2_8-.Ltmp5, $4  }
0xad: {  	vm1 =	vlt.s32 v10, v12;
	vm0 =	vlt.s32 v11, $0x138800;
	[tilespmem:s25+$0x2EE0] =	vst v12  }
0xae: {  	vm0 =	vmand vm0, vm1  }
0xaf: {  	s29 =	sshra.s32 s26, $0x2;
	v11 =	vsel vm0, v11, v5;
	v12 =	vsel vm0, $0x1, v7  }
0xb0: {  	s26 =	sadd.s32 $0x40, s26;
	v10 =	vld [tilespmem:s29+$0x3E80];
	[tilespmem:s25+$0x1F40] =	vst v11;
	v9 =	vadd.s32 v12, v9;
	s25 =	smov.u32 s29  }
0xb1: {  	v11 =	vld [tilespmem:s25+$0x1F40];
	_ =	sdelay $0x2  }
0xb2: {  	s9 =	sadd.s32 $0x10, s9  }
0xb3: {  	v12 =	vor.u32 s9, v1  }
0xb4: {  	vm1 =	vlt.s32 v10, v12;
	vm0 =	vlt.s32 v11, $0x138800  }
0xb5: {  	s24 =	sadd.s32 $0x1, s24;
	vm0 =	vmand vm0, vm1  }
0xb6: {  	p1 =	sne.s32 s24, $0x14;
	[tilespmem:s25+$0x2EE0] =	vst v12;
	v10 =	vsel vm0, v11, v5  }
.Ltmp6:
0xb7: {  	[tilespmem:s25+$0x1F40] =	vst v10;
	(pc) =	sbr.rel @p1 .LBB2_5-.Ltmp6, $4  }
0xb8: {  	[spmem:s4] =	stream.indirect.scatter [tilespmem:s8], [sflag:$0x1], $0x1, s14, s13, $0xb8;
	[tilespmem:$0x1D5E0] =	vst v63  }
0xb9: {  	_ =	swait.ge [sflag:s12], $0xFA0  }
0xba: {  	v10 =	vsel vm0, $0x1, v7;
	[sflag:s12] =	ssyncset.done $0x0  }
0xbb: {  	s23 =	sadd.s32 $0xFA0, s23;
	v9 =	vadd.s32 v10, v9;
	[sflag:s12] =	ssyncadd.s32 $0xFFFFF060  }
0xbc: {  	[tilespmem:$0x2EE0] =	vst v9  }
0xbd: {  	[spmem:s10] =	stream.linear.scatter [tilespmem:s8], [sflag:$0x1], $0x10, $0x38;
	[tilespmem:$0x1D5E0] =	vst v63  }
0xbe: {  	_ =	swait.ge [sflag:s12], $0x10  }
0xbf: {  	[sflag:s12] =	ssyncset.done $0x0  }
0xc0: {  	[sflag:s12] =	ssyncadd.s32 $0xFFFFFFF0  }
0xc1: {  	[bflag:$0x0] =	sbarrier.arrive $0xFFFF  }
0xc2: {  	[tilespmem:s16], [sflag:$0x1] =	stream.linear.gather [spmem:s7], $0x100, $0x38;
	[tilespmem:$0x1D5E0] =	vst v63  }
0xc3: {  	_ =	swait.ge [sflag:s12], $0x100  }
0xc4: {  	[sflag:s12] =	ssyncset.done $0x0  }
0xc5: {  	[sflag:s12] =	ssyncadd.s32 $0xFFFFFF00  }
0xc6: {  	v9 =	vld [tilespmem:$0x9C40]  }
0xc7: {  	v10 =	vld [tilespmem:$0x9C50]  }
0xc8: {  	v11 =	vld [tilespmem:$0x9C60]  }
0xc9: {  	v12 =	vld [tilespmem:$0x9C70]  }
0xca: {  	v13 =	vld [tilespmem:$0x9C80]  }
0xcb: {  	v14 =	vld [tilespmem:$0x9C90]  }
0xcc: {  	v9 =	vadd.s32 v9, v10;
	v10 =	vld [tilespmem:$0x9CA0]  }
0xcd: {  	v9 =	vadd.s32 v9, v11;
	v11 =	vld [tilespmem:$0x9CB0]  }
0xce: {  	v58 =	vld [tilespmem:$0x9CC0];
	v9 =	vadd.s32 v9, v12  }
0xcf: {  	v59 =	vld [tilespmem:$0x9CD0];
	v9 =	vadd.s32 v9, v13  }
0xd0: {  	v60 =	vld [tilespmem:$0x9CE0];
	v9 =	vadd.s32 v9, v14  }
0xd1: {  	v9 =	vadd.s32 v9, v10;
	v10 =	vld [tilespmem:$0x9CF0]  }
0xd2: {  	v9 =	vadd.s32 v9, v11;
	v11 =	vld [tilespmem:$0x9D00]  }
0xd3: {  	v61 =	vld [tilespmem:$0x9D10];
	v9 =	vadd.s32 v9, v58  }
0xd4: {  	v62 =	vld [tilespmem:$0x9D20];
	v9 =	vadd.s32 v9, v59  }
0xd5: {  	v63 =	vld [tilespmem:$0x9D30];
	v9 =	vadd.s32 v9, v60  }
0xd6: {  	v9 =	vadd.s32 v9, v10  }
0xd7: {  	v9 =	vadd.s32 v9, v11  }
0xd8: {  	v9 =	vadd.s32 v9, v61  }
0xd9: {  	v9 =	vadd.s32 v9, v62  }
0xda: {  	v9 =	vadd.s32 v9, v63  }
0xdb: {  	v10 =	vperm.xlane v9, v2;
	_ =	sdelay $0x1  }
0xdc: {  	v9 =	vadd.s32 v9, v10  }
0xdd: {  	v10 =	vperm.xlane v9, v4;
	_ =	sdelay $0x1  }
0xde: {  	v9 =	vadd.s32 v10, v9  }
0xdf: {  	v10 =	vperm.xlane v9, v6;
	_ =	sdelay $0x1  }
0xe0: {  	v9 =	vadd.s32 v10, v9  }
0xe1: {  	v10 =	vperm.xlane v9, v8;
	_ =	sdelay $0x1  }
0xe2: {  	[bflag:$0x0] =	sbarrier.arrive $0xFFFF;
	v9 =	vadd.s32 v10, v9  }
0xe3: {  	(v2sf) =	vpush v9, $0x0;
	_ =	sdelay $0xa  }
.Ltmp7:
0xe4: {  	_ = 	snop;
	(pc) =	sbr.rel .LBB2_11-.Ltmp7, $2  }
0xe5: {  	_ =	sdelay $0x2  }
0xe6: {  	s25 =	spop (v2sf)  }
.LBB2_12:
0xe7: {  	s22 =	smov.u32 s28  }
.LBB2_13:
0xe8: {  	s24 =	smul.u32 $0x7D0, s9;
	_ =	sdelay $0x1  }
0xe9: {  	s23 =	sadd.s32 s28, s24  }
0xea: {  	s23 =	sadd.s32 s23, s4  }
0xeb: {  	[tilespmem:s17], [sflag:$0x1] =	stream.linear.gather [spmem:s23], $0x7D0, $0x38;
	[tilespmem:$0x1D5E0] =	vst v63  }
0xec: {  	_ =	swait.ge [sflag:s12], $0x7D0  }
0xed: {  	[sflag:s12] =	ssyncset.done $0x0  }
0xee: {  	s23 =	simm.s32 $0x0;
	[sflag:s12] =	ssyncadd.s32 $0xFFFFF830  }
0xef: {  	v9 =	vld [tilespmem:s23+$0x55F0];
	_ =	sdelay $0x2  }
0xf0: {  	v10 =	vor.u32 s22, v1  }
0xf1: {  	s25 =	simm.s32 $0x40;
	s26 =	smov.u32 s22;
	v10 =	vand.u32 $0x3FF, v10  }
.LBB2_14:
0xf2: {  	s29 =	sshra.s32 s25, $0x2;
	p1 =	sne.s32 s25, $0x1F00;
	s25 =	sadd.s32 $0x40, s25;
	vm0 =	vlt.s32 v9, $0x0;
	v10 =	vor.u32 $0x138800, v10  }
.Ltmp8:
0xf3: {  	v10 =	vsel vm0, v10, v9;
	v9 =	vld [tilespmem:s29+$0x55F0];
	(pc) =	sbr.rel @p1 .LBB2_14-.Ltmp8, $4  }
0xf4: {  	[tilespmem:s23+$0x4E20] =	vst v10;
	s23 =	smov.u32 s29  }
0xf5: {  	s26 =	sadd.s32 $0x10, s26  }
0xf6: {  	v10 =	vor.u32 s26, v1  }
0xf7: {  	v10 =	vand.u32 $0x3FF, v10  }
0xf8: {  	vm0 =	vlt.s32 v9, $0x0;
	v10 =	vor.u32 $0x138800, v10  }
0xf9: {  	v9 =	vsel vm0, v10, v9  }
0xfa: {  	[tilespmem:s23+$0x4E20] =	vst v9  }
0xfb: {  	[tilespmem:s20], [sflag:$0x1] =	stream.indirect.gather [hbm4b:s2+s18], $0x8, s19, s18, $0xb8;
	[tilespmem:$0x1D5E0] =	vst v63  }
0xfc: {  	s9 =	sadd.s32 $0x1, s9;
	_ =	swait.ge [sflag:s12], $0x3E80  }
0xfd: {  	p1 =	sne.s32 s9, $0x28;
	[sflag:s12] =	ssyncset.done $0x0  }
.Ltmp9:
0xfe: {  	s29 =	sadd.s32 s24, s11;
	[sflag:s12] =	ssyncadd.s32 $0xFFFFC180;
	(pc) =	sbr.rel @p1 .LBB2_13-.Ltmp9, $4  }
0xff: {  	[hbm4b:s29+s5] =	stream.linear.scatter [tilespmem:s20], [sflag:$0x1], $0x3E80, $0x38;
	[tilespmem:$0x1D5E0] =	vst v63  }
0x100: {  	_ =	swait.ge [sflag:s12], $0x3E80  }
0x101: {  	[sflag:s12] =	ssyncset.done $0x0  }
0x102: {  	s22 =	sadd.s32 $0x7D0, s22;
	[sflag:s12] =	ssyncadd.s32 $0xFFFFC180  }
0x103: {  	s21 =	sadd.s32 $0x1, s21;
	s9 =	rddreg [dreg:$0x14]  }
0x104: {  	p1 =	sne.s32 s21, s9  }
.Ltmp10:
0x105: {  	_ = 	snop;
	(pc) =	sbr.rel @p1 .LBB2_1-.Ltmp10, $1  }
0x106: {  	_ =	sdelay $0x3  }
0x107: {  	_ =	sfence.sel $0x180000  }
0x108: {  	[bflag:$0x0] =	sbarrier.arrive $0xFFFF  }
0x109: {  	_ =	strace $0x90000047  }
0x10a: {  	[bflag:$0x2] =	sbarrier.arrive $0xFFFF  }
0x10b: {  	s0 =	rddreg [dreg:$0x5]  }
0x10c: {  	s0 =	sadd.s32 @!p0 $0x100000, s0  }
0x10d: {  	[sflag:s0] =	ssyncadd.tile.s32 @!p0 $0x1;
	_ =	shalt  }
.Lfunc_end2:
_tile_overlayer_lowered:
.L_overlay_start_2:
0x10e: {  	(tag) =	ssettag $0x2  }
0x10f: {  	s0 =	rddreg [dreg:$0x0];
	s2 =	stileid.u32  }
0x110: {  	s1 =	rddreg [dreg:$0x1];
	p0 =	sne.s32 s2, $0x0  }
0x111: {  	s3 =	rddreg [dreg:$0x2];
	[bflag:$0x3] =	sbarrier.arrive $0xFFFF;
	s2 =	simm.s32 @!p0 $0x1C01  }
0x112: {  	[timem:s3], [sflag:s2] =	dma.local @!p0 [hbm:s0], s1  }
0x113: {  	s0 =	simm.s32 @!p0 $0x1  }
0x114: {  	_ =	swait.ge @!p0 [sflag:s0], s1  }
0x115: {  	s1 =	ssub.s32 @!p0 $0x0, s1;
	[sflag:s0] =	ssyncset.done @!p0 $0x0  }
0x116: {  	[sflag:s0] =	ssyncadd.s32 @!p0 s1  }
0x117: {  	[bflag:$0x3] =	sbarrier.arrive $0xFFFF  }
0x118: {  	_ =	shalt  }

</sc_bundles>
